<compile_context>
chip_gen: v7x
topology: tpu7x:2x2x1
jax: 0.10.2.dev20260603
libtpu: 0.0.44.dev20260713+nightly
codegen_flags: <defaults>
</compile_context>

<pallas_src>
import functools

import jax
import jax.numpy as jnp
from jax import lax
from jax.experimental import pallas as pl
from jax.experimental.pallas import tpu as pltpu
from jax.experimental.pallas import tpu_sc as plsc

N = 10000
E = 320000
SD = 128
NG = 64
NCLS = 41

NC = 2
NS = 16
NW = NC * NS

NP = 10240
XPW = NP // NW
CPW = 79
EP = NW * CPW * 128
RPZ = NP // NS

ROW_BLK = 1024
N_BLKS = NP // ROW_BLK

_MESH = plsc.VectorSubcoreMesh(core_axis_name="c", subcore_axis_name="s")



@functools.partial(
    pl.kernel,
    out_type=jax.ShapeDtypeStruct((NP, SD), jnp.float32),
    mesh=_MESH,
    scratch_types=[
        pltpu.VMEM((XPW // 64, 64), jnp.int32),
        pltpu.VMEM((XPW, SD), jnp.float32),
        pltpu.SemaphoreType.DMA,
    ],
)
def _emb_gather(x_hbm, emb_hbm, out_hbm, idx_v, rows_v, sem):
    cid = lax.axis_index("c")
    sid = lax.axis_index("s")
    wid = sid * NC + cid
    pltpu.sync_copy(x_hbm.at[wid], idx_v)
    for j in range(XPW // 64):
        pltpu.async_copy(emb_hbm.at[idx_v.at[j]], rows_v.at[pl.ds(j * 64, 64)],
                         sem).wait()
    pltpu.sync_copy(rows_v, out_hbm.at[pl.ds(wid * XPW, XPW)])



@functools.partial(
    pl.kernel,
    out_type=jax.ShapeDtypeStruct((NC, NP, SD), jnp.float32),
    mesh=_MESH,
    scratch_types=[
        pltpu.VMEM((CPW, 128), jnp.int32),
        pltpu.VMEM((CPW, 128), jnp.int32),
        pltpu.VMEM((128, SD), jnp.float32),
        pltpu.VMEM_SHARED((NP, SD), jnp.float32),
        pltpu.SemaphoreType.DMA,
    ],
)
def _sc_agg(h_hbm, src_hbm, dst_hbm, zeros_hbm, out_hbm,
            srcv, dstv, rows, acc, sem):
    cid = lax.axis_index("c")
    sid = lax.axis_index("s")
    wid = sid * NC + cid
    pltpu.sync_copy(zeros_hbm.at[pl.ds(sid * RPZ, RPZ)],
                    acc.at[pl.ds(sid * RPZ, RPZ)])
    pltpu.sync_copy(src_hbm.at[wid], srcv)
    pltpu.sync_copy(dst_hbm.at[wid], dstv)
    plsc.subcore_barrier()

    def body(c, carry):
        pltpu.async_copy(h_hbm.at[srcv.at[c]], rows, sem).wait()
        pltpu.sync_copy(rows, acc.at[dstv.at[c]], add=True)
        return carry

    lax.fori_loop(0, CPW, body, 0)
    plsc.subcore_barrier()
    pltpu.sync_copy(acc.at[pl.ds(sid * RPZ, RPZ)],
                    out_hbm.at[cid].at[pl.ds(sid * RPZ, RPZ)])



def _layer_body(h_ref, p0_ref, p1_ref, w1_ref, b1_ref, w2_ref, b2_ref,
                mul_ref, add_ref, out_ref):
    z = h_ref[...] + p0_ref[...] + p1_ref[...]
    z1 = jax.nn.relu(jnp.dot(z, w1_ref[...], preferred_element_type=jnp.float32)
                     + b1_ref[...])
    h2 = jnp.dot(z1, w2_ref[...], preferred_element_type=jnp.float32) + b2_ref[...]
    out_ref[...] = jax.nn.relu(h2) * mul_ref[...] + add_ref[...]


def _gin_dense(h, p0, p1, W1, b1, W2, b2, mul, add):
    full = pl.BlockSpec((SD, SD), lambda i: (0, 0))
    vec = pl.BlockSpec((1, SD), lambda i: (0, 0))
    row = pl.BlockSpec((ROW_BLK, SD), lambda i: (i, 0))
    return pl.pallas_call(
        _layer_body,
        grid=(N_BLKS,),
        in_specs=[row, row, row, full, vec, full, vec, vec, vec],
        out_specs=row,
        out_shape=jax.ShapeDtypeStruct((NP, SD), jnp.float32),
    )(h, p0, p1, W1, b1.reshape(1, SD), W2, b2.reshape(1, SD),
      mul.reshape(1, SD), add.reshape(1, SD))



def _pool_body(h_ref, batch_ref, wfc1_ref, bfc1_ref, wfc2_ref, bfc2_ref,
               out_ref, acc_ref):
    i = pl.program_id(0)

    @pl.when(i == 0)
    def _():
        acc_ref[...] = jnp.zeros_like(acc_ref)

    b = batch_ref[0, 0, :]
    gids = jax.lax.broadcasted_iota(jnp.int32, (NG, ROW_BLK), 0)
    mask = (gids == b[None, :]).astype(jnp.float32)
    acc_ref[...] += jnp.dot(mask, h_ref[...], preferred_element_type=jnp.float32)

    @pl.when(i == N_BLKS - 1)
    def _():
        p = acc_ref[...]
        hfc = jax.nn.relu(jnp.dot(p, wfc1_ref[...],
                                  preferred_element_type=jnp.float32)
                          + bfc1_ref[...])
        out_ref[...] = (jnp.dot(hfc, wfc2_ref[...],
                                preferred_element_type=jnp.float32)
                        + bfc2_ref[...])


def _pool_mlp(h, batch3, Wfc1, bfc1, Wfc2, bfc2):
    return pl.pallas_call(
        _pool_body,
        grid=(N_BLKS,),
        in_specs=[
            pl.BlockSpec((ROW_BLK, SD), lambda i: (i, 0)),
            pl.BlockSpec((1, 1, ROW_BLK), lambda i: (i, 0, 0)),
            pl.BlockSpec((SD, SD), lambda i: (0, 0)),
            pl.BlockSpec((1, SD), lambda i: (0, 0)),
            pl.BlockSpec((SD, NCLS), lambda i: (0, 0)),
            pl.BlockSpec((1, NCLS), lambda i: (0, 0)),
        ],
        out_specs=pl.BlockSpec((NG, NCLS), lambda i: (0, 0)),
        out_shape=jax.ShapeDtypeStruct((NG, NCLS), jnp.float32),
        scratch_shapes=[pltpu.VMEM((NG, SD), jnp.float32)],
    )(h, batch3, Wfc1, bfc1.reshape(1, SD), Wfc2, bfc2.reshape(1, NCLS))



def kernel(x, edge_index, batch, emb, Win1, bin1, Win2, bin2, g_in, be_in,
           Wh1, bh1, Wh2, bh2, gh, bh, Wo1, bo1, Wo2, bo2,
           Wfc1, bfc1, Wfc2, bfc2):
    src = edge_index[0]
    dst = edge_index[1]
    bnscale = 1.0 / jnp.sqrt(jnp.float32(1.0 + 1e-5))

    x1 = jnp.squeeze(x, axis=-1)
    x3 = jnp.concatenate([x1, jnp.zeros((NP - N,), jnp.int32)]).reshape(
        NW, XPW // 64, 64)
    src3 = jnp.concatenate(
        [src, jnp.zeros((EP - E,), jnp.int32)]).reshape(NW, CPW, 128)
    dst3 = jnp.concatenate(
        [dst, jnp.full((EP - E,), NP - 1, jnp.int32)]).reshape(NW, CPW, 128)
    batch3 = jnp.concatenate(
        [batch, jnp.full((NP - N,), -1, jnp.int32)]).reshape(N_BLKS, 1, ROW_BLK)
    zeros_rows = jnp.zeros((NP, SD), jnp.float32)

    h = _emb_gather(x3, emb)

    layers = [
        (Win1, bin1, Win2, bin2, g_in * bnscale, be_in),
        (Wh1[0], bh1[0], Wh2[0], bh2[0], gh[0] * bnscale, bh[0]),
        (Wh1[1], bh1[1], Wh2[1], bh2[1], gh[1] * bnscale, bh[1]),
        (Wo1, bo1, Wo2, bo2, jnp.ones((SD,), jnp.float32),
         jnp.zeros((SD,), jnp.float32)),
    ]
    for (W1, b1, W2, b2, mul, add) in layers:
        parts = _sc_agg(h, src3, dst3, zeros_rows)
        h = _gin_dense(h, parts[0], parts[1], W1, b1, W2, b2, mul, add)

    return _pool_mlp(h, batch3, Wfc1, bfc1, Wfc2, bfc2)

# --- scband reference (transcript-rebuilt; emitter-appended) ---
"""Pipeline reference for scband-gnn-66949950210692 (READ-ONLY COPY).

The authoritative reference and input builder live on the scoring server;
editing this copy changes nothing except your own understanding.
"""

import jax, jax.numpy as jnp
import numpy as np

N = 10000
E = 320000
SD = 128
HL = 2
NG = 64
VOCAB = 1340
NCLS = 41


def _gin(h, src, dst, W1, b1, W2, b2):
    # GINConv with eps=0: nn((1+eps)*x + sum_{j in N(i)} x_j)
    agg = jax.ops.segment_sum(h[src], dst, num_segments=h.shape[0])
    z = h + agg
    z = jax.nn.relu(z @ W1 + b1)
    return z @ W2 + b2


def _bn(h, gamma, beta):
    # BatchNorm1d in eval mode with default running stats (mean=0, var=1)
    return h / jnp.sqrt(1.0 + 1e-5) * gamma + beta


def setup_inputs(seed: int = 0) -> dict:
    key = jax.random.key(seed)
    ks = jax.random.split(key, 20)
    s = 0.05
    inp = {}
    inp["x"] = jax.random.randint(ks[0], (N, 1), 0, VOCAB, dtype=jnp.int32)
    inp["edge_index"] = jax.random.randint(ks[1], (2, E), 0, N, dtype=jnp.int32)
    inp["batch"] = jnp.sort(jax.random.randint(ks[2], (N,), 0, NG, dtype=jnp.int32))
    inp["emb"] = jax.random.normal(ks[3], (VOCAB, SD), dtype=jnp.float32) * s
    inp["Win1"] = jax.random.normal(ks[4], (SD, SD), dtype=jnp.float32) * s
    inp["bin1"] = jnp.zeros((SD,), dtype=jnp.float32)
    inp["Win2"] = jax.random.normal(ks[5], (SD, SD), dtype=jnp.float32) * s
    inp["bin2"] = jnp.zeros((SD,), dtype=jnp.float32)
    inp["g_in"] = jnp.ones((SD,), dtype=jnp.float32)
    inp["be_in"] = jnp.zeros((SD,), dtype=jnp.float32)
    inp["Wh1"] = jax.random.normal(ks[6], (HL, SD, SD), dtype=jnp.float32) * s
    inp["bh1"] = jnp.zeros((HL, SD), dtype=jnp.float32)
    inp["Wh2"] = jax.random.normal(ks[7], (HL, SD, SD), dtype=jnp.float32) * s
    inp["bh2"] = jnp.zeros((HL, SD), dtype=jnp.float32)
    inp["gh"] = jnp.ones((HL, SD), dtype=jnp.float32)
    inp["bh"] = jnp.zeros((HL, SD), dtype=jnp.float32)
    inp["Wo1"] = jax.random.normal(ks[8], (SD, SD), dtype=jnp.float32) * s
    inp["bo1"] = jnp.zeros((SD,), dtype=jnp.float32)
    inp["Wo2"] = jax.random.normal(ks[9], (SD, SD), dtype=jnp.float32) * s
    inp["bo2"] = jnp.zeros((SD,), dtype=jnp.float32)
    inp["Wfc1"] = jax.random.normal(ks[10], (SD, SD), dtype=jnp.float32) * s
    inp["bfc1"] = jnp.zeros((SD,), dtype=jnp.float32)
    inp["Wfc2"] = jax.random.normal(ks[11], (SD, NCLS), dtype=jnp.float32) * s
    inp["bfc2"] = jnp.zeros((NCLS,), dtype=jnp.float32)
    return inp


def reference(x, edge_index, batch, emb, Win1, bin1, Win2, bin2, g_in, be_in,
              Wh1, bh1, Wh2, bh2, gh, bh, Wo1, bo1, Wo2, bo2,
              Wfc1, bfc1, Wfc2, bfc2):
    src = edge_index[0]
    dst = edge_index[1]
    h = emb[jnp.squeeze(x, axis=-1)]
    h = jax.nn.relu(_gin(h, src, dst, Win1, bin1, Win2, bin2))
    h = _bn(h, g_in, be_in)
    for i in range(HL):
        h = jax.nn.relu(_gin(h, src, dst, Wh1[i], bh1[i], Wh2[i], bh2[i]))
        h = _bn(h, gh[i], bh[i])
    h = jax.nn.relu(_gin(h, src, dst, Wo1, bo1, Wo2, bo2))
    pooled = jax.ops.segment_sum(h, batch, num_segments=NG)
    h = jax.nn.relu(pooled @ Wfc1 + bfc1)
    out = h @ Wfc2 + bfc2
    return out

if __name__ == "__main__":
    import jax
    _d = setup_inputs()
    print(jax.jit(kernel)(*tuple(_d.values())))

</pallas_src>

<mosaic_0001>
#map = affine_map<(d0, d1) -> (0, 0, 0)>
#map1 = affine_map<(d0, d1) -> (0, 0)>
module attributes {stable_mosaic.version = 14 : i64} {
  func.func @_emb_gather(%arg0: i32, %arg1: i32, %arg2: memref<32x5x64xi32, #tpu.memory_space<hbm>>, %arg3: memref<1340x128xf32, #tpu.memory_space<hbm>>, %arg4: memref<10240x128xf32, #tpu.memory_space<hbm>>, %arg5: memref<5x64xi32, #tpu.memory_space<vmem>>, %arg6: memref<320x128xf32, #tpu.memory_space<vmem>>, %arg7: memref<!tpu.dma_semaphore, #tpu.memory_space<semaphore_mem>>) attributes {dimension_semantics = [#tpu.dimension_semantics<core_parallel>, #tpu.dimension_semantics<subcore_parallel>], iteration_bounds = array<i64: 2, 16>, scalar_prefetch = 0 : i64, scratch_operands = 3 : i64, tpu.core_type = #tpu.core_type<sc_vector_subcore>, window_params = [{transform_indices = #map}, {transform_indices = #map1}, {transform_indices = #map1}]} {
    %mul3A = arith.constant 2 : i32
    %mul3A_0 = arith.muli %arg1, %mul3A : i32
    %add3A = arith.addi %mul3A_0, %arg0 : i32
    "tpu.region"() ({
      %run_scoped3A = tpu.sem_alloc : memref<!tpu.dma_semaphore, #tpu.memory_space<semaphore_mem>>
      %dma_start3A_101 = arith.constant 0 : i32
      %dma_start3A_102 = arith.constant 0 : i32
      %dma_start3A_103 = tpu.memref_slice %arg2[%add3A, %dma_start3A_101, %dma_start3A_102] : memref<32x5x64xi32, #tpu.memory_space<hbm>> -> memref<1x5x64xi32, #tpu.memory_space<hbm>>
      %dma_start3A_104 = tpu.memref_squeeze %dma_start3A_103 : memref<1x5x64xi32, #tpu.memory_space<hbm>> -> memref<5x64xi32, #tpu.memory_space<hbm>>
      %dma_start3A_105 = arith.constant 0 : i32
      %dma_start3A_106 = arith.constant 0 : i32
      %dma_start3A_107 = tpu.memref_slice %arg2[%add3A, %dma_start3A_105, %dma_start3A_106] : memref<32x5x64xi32, #tpu.memory_space<hbm>> -> memref<1x5x64xi32, #tpu.memory_space<hbm>>
      %dma_start3A_108 = tpu.memref_squeeze %dma_start3A_107 : memref<1x5x64xi32, #tpu.memory_space<hbm>> -> memref<5x64xi32, #tpu.memory_space<hbm>>
      tpu.enqueue_dma source(%dma_start3A_108 : memref<5x64xi32, #tpu.memory_space<hbm>>) target(%arg5 : memref<5x64xi32, #tpu.memory_space<vmem>>) target_semaphore(%run_scoped3A : memref<!tpu.dma_semaphore, #tpu.memory_space<semaphore_mem>>)
      %dma_wait3A_109 = arith.constant 0 : i32
      %dma_wait3A_110 = arith.constant 0 : i32
      %dma_wait3A_111 = tpu.memref_slice %arg2[%add3A, %dma_wait3A_109, %dma_wait3A_110] : memref<32x5x64xi32, #tpu.memory_space<hbm>> -> memref<1x5x64xi32, #tpu.memory_space<hbm>>
      %dma_wait3A_112 = tpu.memref_squeeze %dma_wait3A_111 : memref<1x5x64xi32, #tpu.memory_space<hbm>> -> memref<5x64xi32, #tpu.memory_space<hbm>>
      %dma_wait3A_113 = arith.constant 0 : i32
      %dma_wait3A_114 = arith.constant 0 : i32
      %dma_wait3A_115 = tpu.memref_slice %arg2[%add3A, %dma_wait3A_113, %dma_wait3A_114] : memref<32x5x64xi32, #tpu.memory_space<hbm>> -> memref<1x5x64xi32, #tpu.memory_space<hbm>>
      %dma_wait3A_116 = tpu.memref_squeeze %dma_wait3A_115 : memref<1x5x64xi32, #tpu.memory_space<hbm>> -> memref<5x64xi32, #tpu.memory_space<hbm>>
      tpu.wait_dma2 semaphore(%run_scoped3A : memref<!tpu.dma_semaphore, #tpu.memory_space<semaphore_mem>>) src(%dma_wait3A_116 : memref<5x64xi32, #tpu.memory_space<hbm>>) dst(%arg5 : memref<5x64xi32, #tpu.memory_space<vmem>>)
      tpu.yield
    }) : () -> ()
    %dma_start3A = arith.constant 0 : i32
    %dma_start3A_1 = arith.constant 0 : i32
    %dma_start3A_2 = arith.constant 0 : i32
    %dma_start3A_3 = tpu.memref_slice %arg6[%dma_start3A_1, %dma_start3A_2] : memref<320x128xf32, #tpu.memory_space<vmem>> -> memref<64x128xf32, #tpu.memory_space<vmem>>
    %dma_start3A_4 = arith.constant 0 : i32
    %dma_start3A_5 = tpu.memref_slice %arg5[%dma_start3A, %dma_start3A_4] : memref<5x64xi32, #tpu.memory_space<vmem>> -> memref<1x64xi32, #tpu.memory_space<vmem>>
    %dma_start3A_6 = tpu.memref_squeeze %dma_start3A_5 : memref<1x64xi32, #tpu.memory_space<vmem>> -> memref<64xi32, #tpu.memory_space<vmem>>
    %dma_start3A_7 = arith.constant 0 : i32
    %dma_start3A_8 = arith.constant 0 : i32
    %dma_start3A_9 = tpu.memref_slice %arg3[%dma_start3A_7, %dma_start3A_8] : memref<1340x128xf32, #tpu.memory_space<hbm>> -> memref<1340x128xf32, #tpu.memory_space<hbm>>
    tpu.enqueue_indirect_dma source(%dma_start3A_9 : memref<1340x128xf32, #tpu.memory_space<hbm>>) target(%dma_start3A_3 : memref<64x128xf32, #tpu.memory_space<vmem>>) offsets(%dma_start3A_6 : memref<64xi32, #tpu.memory_space<vmem>>) semaphore(%arg7 : memref<!tpu.dma_semaphore, #tpu.memory_space<semaphore_mem>>)
    %dma_wait3A = arith.constant 0 : i32
    %dma_wait3A_10 = arith.constant 0 : i32
    %dma_wait3A_11 = arith.constant 0 : i32
    %dma_wait3A_12 = tpu.memref_slice %arg6[%dma_wait3A_10, %dma_wait3A_11] : memref<320x128xf32, #tpu.memory_space<vmem>> -> memref<64x128xf32, #tpu.memory_space<vmem>>
    %dma_wait3A_13 = arith.constant 0 : i32
    %dma_wait3A_14 = tpu.memref_slice %arg5[%dma_wait3A, %dma_wait3A_13] : memref<5x64xi32, #tpu.memory_space<vmem>> -> memref<1x64xi32, #tpu.memory_space<vmem>>
    %dma_wait3A_15 = tpu.memref_squeeze %dma_wait3A_14 : memref<1x64xi32, #tpu.memory_space<vmem>> -> memref<64xi32, #tpu.memory_space<vmem>>
    %dma_wait3A_16 = arith.constant 0 : i32
    %dma_wait3A_17 = arith.constant 0 : i32
    %dma_wait3A_18 = tpu.memref_slice %arg3[%dma_wait3A_16, %dma_wait3A_17] : memref<1340x128xf32, #tpu.memory_space<hbm>> -> memref<1340x128xf32, #tpu.memory_space<hbm>>
    tpu.wait_indirect_dma semaphore(%arg7 : memref<!tpu.dma_semaphore, #tpu.memory_space<semaphore_mem>>) src(%dma_wait3A_18 : memref<1340x128xf32, #tpu.memory_space<hbm>>) dst(%dma_wait3A_12 : memref<64x128xf32, #tpu.memory_space<vmem>>)
    %dma_start3A_19 = arith.constant 1 : i32
    %dma_start3A_20 = arith.constant 64 : i32
    %dma_start3A_21 = arith.constant 0 : i32
    %dma_start3A_22 = tpu.memref_slice %arg6[%dma_start3A_20, %dma_start3A_21] : memref<320x128xf32, #tpu.memory_space<vmem>> -> memref<64x128xf32, #tpu.memory_space<vmem>>
    %dma_start3A_23 = arith.constant 0 : i32
    %dma_start3A_24 = tpu.memref_slice %arg5[%dma_start3A_19, %dma_start3A_23] : memref<5x64xi32, #tpu.memory_space<vmem>> -> memref<1x64xi32, #tpu.memory_space<vmem>>
    %dma_start3A_25 = tpu.memref_squeeze %dma_start3A_24 : memref<1x64xi32, #tpu.memory_space<vmem>> -> memref<64xi32, #tpu.memory_space<vmem>>
    %dma_start3A_26 = arith.constant 0 : i32
    %dma_start3A_27 = arith.constant 0 : i32
    %dma_start3A_28 = tpu.memref_slice %arg3[%dma_start3A_26, %dma_start3A_27] : memref<1340x128xf32, #tpu.memory_space<hbm>> -> memref<1340x128xf32, #tpu.memory_space<hbm>>
    tpu.enqueue_indirect_dma source(%dma_start3A_28 : memref<1340x128xf32, #tpu.memory_space<hbm>>) target(%dma_start3A_22 : memref<64x128xf32, #tpu.memory_space<vmem>>) offsets(%dma_start3A_25 : memref<64xi32, #tpu.memory_space<vmem>>) semaphore(%arg7 : memref<!tpu.dma_semaphore, #tpu.memory_space<semaphore_mem>>)
    %dma_wait3A_29 = arith.constant 1 : i32
    %dma_wait3A_30 = arith.constant 64 : i32
    %dma_wait3A_31 = arith.constant 0 : i32
    %dma_wait3A_32 = tpu.memref_slice %arg6[%dma_wait3A_30, %dma_wait3A_31] : memref<320x128xf32, #tpu.memory_space<vmem>> -> memref<64x128xf32, #tpu.memory_space<vmem>>
    %dma_wait3A_33 = arith.constant 0 : i32
    %dma_wait3A_34 = tpu.memref_slice %arg5[%dma_wait3A_29, %dma_wait3A_33] : memref<5x64xi32, #tpu.memory_space<vmem>> -> memref<1x64xi32, #tpu.memory_space<vmem>>
    %dma_wait3A_35 = tpu.memref_squeeze %dma_wait3A_34 : memref<1x64xi32, #tpu.memory_space<vmem>> -> memref<64xi32, #tpu.memory_space<vmem>>
    %dma_wait3A_36 = arith.constant 0 : i32
    %dma_wait3A_37 = arith.constant 0 : i32
    %dma_wait3A_38 = tpu.memref_slice %arg3[%dma_wait3A_36, %dma_wait3A_37] : memref<1340x128xf32, #tpu.memory_space<hbm>> -> memref<1340x128xf32, #tpu.memory_space<hbm>>
    tpu.wait_indirect_dma semaphore(%arg7 : memref<!tpu.dma_semaphore, #tpu.memory_space<semaphore_mem>>) src(%dma_wait3A_38 : memref<1340x128xf32, #tpu.memory_space<hbm>>) dst(%dma_wait3A_32 : memref<64x128xf32, #tpu.memory_space<vmem>>)
    %dma_start3A_39 = arith.constant 2 : i32
    %dma_start3A_40 = arith.constant 128 : i32
    %dma_start3A_41 = arith.constant 0 : i32
    %dma_start3A_42 = tpu.memref_slice %arg6[%dma_start3A_40, %dma_start3A_41] : memref<320x128xf32, #tpu.memory_space<vmem>> -> memref<64x128xf32, #tpu.memory_space<vmem>>
    %dma_start3A_43 = arith.constant 0 : i32
    %dma_start3A_44 = tpu.memref_slice %arg5[%dma_start3A_39, %dma_start3A_43] : memref<5x64xi32, #tpu.memory_space<vmem>> -> memref<1x64xi32, #tpu.memory_space<vmem>>
    %dma_start3A_45 = tpu.memref_squeeze %dma_start3A_44 : memref<1x64xi32, #tpu.memory_space<vmem>> -> memref<64xi32, #tpu.memory_space<vmem>>
    %dma_start3A_46 = arith.constant 0 : i32
    %dma_start3A_47 = arith.constant 0 : i32
    %dma_start3A_48 = tpu.memref_slice %arg3[%dma_start3A_46, %dma_start3A_47] : memref<1340x128xf32, #tpu.memory_space<hbm>> -> memref<1340x128xf32, #tpu.memory_space<hbm>>
    tpu.enqueue_indirect_dma source(%dma_start3A_48 : memref<1340x128xf32, #tpu.memory_space<hbm>>) target(%dma_start3A_42 : memref<64x128xf32, #tpu.memory_space<vmem>>) offsets(%dma_start3A_45 : memref<64xi32, #tpu.memory_space<vmem>>) semaphore(%arg7 : memref<!tpu.dma_semaphore, #tpu.memory_space<semaphore_mem>>)
    %dma_wait3A_49 = arith.constant 2 : i32
    %dma_wait3A_50 = arith.constant 128 : i32
    %dma_wait3A_51 = arith.constant 0 : i32
    %dma_wait3A_52 = tpu.memref_slice %arg6[%dma_wait3A_50, %dma_wait3A_51] : memref<320x128xf32, #tpu.memory_space<vmem>> -> memref<64x128xf32, #tpu.memory_space<vmem>>
    %dma_wait3A_53 = arith.constant 0 : i32
    %dma_wait3A_54 = tpu.memref_slice %arg5[%dma_wait3A_49, %dma_wait3A_53] : memref<5x64xi32, #tpu.memory_space<vmem>> -> memref<1x64xi32, #tpu.memory_space<vmem>>
    %dma_wait3A_55 = tpu.memref_squeeze %dma_wait3A_54 : memref<1x64xi32, #tpu.memory_space<vmem>> -> memref<64xi32, #tpu.memory_space<vmem>>
    %dma_wait3A_56 = arith.constant 0 : i32
    %dma_wait3A_57 = arith.constant 0 : i32
    %dma_wait3A_58 = tpu.memref_slice %arg3[%dma_wait3A_56, %dma_wait3A_57] : memref<1340x128xf32, #tpu.memory_space<hbm>> -> memref<1340x128xf32, #tpu.memory_space<hbm>>
    tpu.wait_indirect_dma semaphore(%arg7 : memref<!tpu.dma_semaphore, #tpu.memory_space<semaphore_mem>>) src(%dma_wait3A_58 : memref<1340x128xf32, #tpu.memory_space<hbm>>) dst(%dma_wait3A_52 : memref<64x128xf32, #tpu.memory_space<vmem>>)
    %dma_start3A_59 = arith.constant 3 : i32
    %dma_start3A_60 = arith.constant 192 : i32
    %dma_start3A_61 = arith.constant 0 : i32
    %dma_start3A_62 = tpu.memref_slice %arg6[%dma_start3A_60, %dma_start3A_61] : memref<320x128xf32, #tpu.memory_space<vmem>> -> memref<64x128xf32, #tpu.memory_space<vmem>>
    %dma_start3A_63 = arith.constant 0 : i32
    %dma_start3A_64 = tpu.memref_slice %arg5[%dma_start3A_59, %dma_start3A_63] : memref<5x64xi32, #tpu.memory_space<vmem>> -> memref<1x64xi32, #tpu.memory_space<vmem>>
    %dma_start3A_65 = tpu.memref_squeeze %dma_start3A_64 : memref<1x64xi32, #tpu.memory_space<vmem>> -> memref<64xi32, #tpu.memory_space<vmem>>
    %dma_start3A_66 = arith.constant 0 : i32
    %dma_start3A_67 = arith.constant 0 : i32
    %dma_start3A_68 = tpu.memref_slice %arg3[%dma_start3A_66, %dma_start3A_67] : memref<1340x128xf32, #tpu.memory_space<hbm>> -> memref<1340x128xf32, #tpu.memory_space<hbm>>
    tpu.enqueue_indirect_dma source(%dma_start3A_68 : memref<1340x128xf32, #tpu.memory_space<hbm>>) target(%dma_start3A_62 : memref<64x128xf32, #tpu.memory_space<vmem>>) offsets(%dma_start3A_65 : memref<64xi32, #tpu.memory_space<vmem>>) semaphore(%arg7 : memref<!tpu.dma_semaphore, #tpu.memory_space<semaphore_mem>>)
    %dma_wait3A_69 = arith.constant 3 : i32
    %dma_wait3A_70 = arith.constant 192 : i32
    %dma_wait3A_71 = arith.constant 0 : i32
    %dma_wait3A_72 = tpu.memref_slice %arg6[%dma_wait3A_70, %dma_wait3A_71] : memref<320x128xf32, #tpu.memory_space<vmem>> -> memref<64x128xf32, #tpu.memory_space<vmem>>
    %dma_wait3A_73 = arith.constant 0 : i32
    %dma_wait3A_74 = tpu.memref_slice %arg5[%dma_wait3A_69, %dma_wait3A_73] : memref<5x64xi32, #tpu.memory_space<vmem>> -> memref<1x64xi32, #tpu.memory_space<vmem>>
    %dma_wait3A_75 = tpu.memref_squeeze %dma_wait3A_74 : memref<1x64xi32, #tpu.memory_space<vmem>> -> memref<64xi32, #tpu.memory_space<vmem>>
    %dma_wait3A_76 = arith.constant 0 : i32
    %dma_wait3A_77 = arith.constant 0 : i32
    %dma_wait3A_78 = tpu.memref_slice %arg3[%dma_wait3A_76, %dma_wait3A_77] : memref<1340x128xf32, #tpu.memory_space<hbm>> -> memref<1340x128xf32, #tpu.memory_space<hbm>>
    tpu.wait_indirect_dma semaphore(%arg7 : memref<!tpu.dma_semaphore, #tpu.memory_space<semaphore_mem>>) src(%dma_wait3A_78 : memref<1340x128xf32, #tpu.memory_space<hbm>>) dst(%dma_wait3A_72 : memref<64x128xf32, #tpu.memory_space<vmem>>)
    %dma_start3A_79 = arith.constant 4 : i32
    %dma_start3A_80 = arith.constant 256 : i32
    %dma_start3A_81 = arith.constant 0 : i32
    %dma_start3A_82 = tpu.memref_slice %arg6[%dma_start3A_80, %dma_start3A_81] : memref<320x128xf32, #tpu.memory_space<vmem>> -> memref<64x128xf32, #tpu.memory_space<vmem>>
    %dma_start3A_83 = arith.constant 0 : i32
    %dma_start3A_84 = tpu.memref_slice %arg5[%dma_start3A_79, %dma_start3A_83] : memref<5x64xi32, #tpu.memory_space<vmem>> -> memref<1x64xi32, #tpu.memory_space<vmem>>
    %dma_start3A_85 = tpu.memref_squeeze %dma_start3A_84 : memref<1x64xi32, #tpu.memory_space<vmem>> -> memref<64xi32, #tpu.memory_space<vmem>>
    %dma_start3A_86 = arith.constant 0 : i32
    %dma_start3A_87 = arith.constant 0 : i32
    %dma_start3A_88 = tpu.memref_slice %arg3[%dma_start3A_86, %dma_start3A_87] : memref<1340x128xf32, #tpu.memory_space<hbm>> -> memref<1340x128xf32, #tpu.memory_space<hbm>>
    tpu.enqueue_indirect_dma source(%dma_start3A_88 : memref<1340x128xf32, #tpu.memory_space<hbm>>) target(%dma_start3A_82 : memref<64x128xf32, #tpu.memory_space<vmem>>) offsets(%dma_start3A_85 : memref<64xi32, #tpu.memory_space<vmem>>) semaphore(%arg7 : memref<!tpu.dma_semaphore, #tpu.memory_space<semaphore_mem>>)
    %dma_wait3A_89 = arith.constant 4 : i32
    %dma_wait3A_90 = arith.constant 256 : i32
    %dma_wait3A_91 = arith.constant 0 : i32
    %dma_wait3A_92 = tpu.memref_slice %arg6[%dma_wait3A_90, %dma_wait3A_91] : memref<320x128xf32, #tpu.memory_space<vmem>> -> memref<64x128xf32, #tpu.memory_space<vmem>>
    %dma_wait3A_93 = arith.constant 0 : i32
    %dma_wait3A_94 = tpu.memref_slice %arg5[%dma_wait3A_89, %dma_wait3A_93] : memref<5x64xi32, #tpu.memory_space<vmem>> -> memref<1x64xi32, #tpu.memory_space<vmem>>
    %dma_wait3A_95 = tpu.memref_squeeze %dma_wait3A_94 : memref<1x64xi32, #tpu.memory_space<vmem>> -> memref<64xi32, #tpu.memory_space<vmem>>
    %dma_wait3A_96 = arith.constant 0 : i32
    %dma_wait3A_97 = arith.constant 0 : i32
    %dma_wait3A_98 = tpu.memref_slice %arg3[%dma_wait3A_96, %dma_wait3A_97] : memref<1340x128xf32, #tpu.memory_space<hbm>> -> memref<1340x128xf32, #tpu.memory_space<hbm>>
    tpu.wait_indirect_dma semaphore(%arg7 : memref<!tpu.dma_semaphore, #tpu.memory_space<semaphore_mem>>) src(%dma_wait3A_98 : memref<1340x128xf32, #tpu.memory_space<hbm>>) dst(%dma_wait3A_92 : memref<64x128xf32, #tpu.memory_space<vmem>>)
    %mul3A_99 = arith.constant 320 : i32
    %mul3A_100 = arith.muli %add3A, %mul3A_99 : i32
    "tpu.region"() ({
      %run_scoped3A = tpu.sem_alloc : memref<!tpu.dma_semaphore, #tpu.memory_space<semaphore_mem>>
      %dma_start3A_101 = arith.constant 0 : i32
      %dma_start3A_102 = tpu.memref_slice %arg4[%mul3A_100, %dma_start3A_101] : memref<10240x128xf32, #tpu.memory_space<hbm>> -> memref<320x128xf32, #tpu.memory_space<hbm>>
      %dma_start3A_103 = arith.constant 0 : i32
      %dma_start3A_104 = tpu.memref_slice %arg4[%mul3A_100, %dma_start3A_103] : memref<10240x128xf32, #tpu.memory_space<hbm>> -> memref<320x128xf32, #tpu.memory_space<hbm>>
      tpu.enqueue_dma source(%arg6 : memref<320x128xf32, #tpu.memory_space<vmem>>) target(%dma_start3A_104 : memref<320x128xf32, #tpu.memory_space<hbm>>) target_semaphore(%run_scoped3A : memref<!tpu.dma_semaphore, #tpu.memory_space<semaphore_mem>>)
      %dma_wait3A_105 = arith.constant 0 : i32
      %dma_wait3A_106 = tpu.memref_slice %arg4[%mul3A_100, %dma_wait3A_105] : memref<10240x128xf32, #tpu.memory_space<hbm>> -> memref<320x128xf32, #tpu.memory_space<hbm>>
      %dma_wait3A_107 = arith.constant 0 : i32
      %dma_wait3A_108 = tpu.memref_slice %arg4[%mul3A_100, %dma_wait3A_107] : memref<10240x128xf32, #tpu.memory_space<hbm>> -> memref<320x128xf32, #tpu.memory_space<hbm>>
      tpu.wait_dma2 semaphore(%run_scoped3A : memref<!tpu.dma_semaphore, #tpu.memory_space<semaphore_mem>>) src(%arg6 : memref<320x128xf32, #tpu.memory_space<vmem>>) dst(%dma_wait3A_108 : memref<320x128xf32, #tpu.memory_space<hbm>>)
      tpu.yield
    }) : () -> ()
    return
  }
}

#map = affine_map<(d0, d1) -> (0, 0)>
#map1 = affine_map<(d0, d1) -> (0, 0, 0)>
module attributes {stable_mosaic.version = 14 : i64} {
  func.func @_sc_agg(%arg0: i32, %arg1: i32, %arg2: memref<10240x128xf32, #tpu.memory_space<hbm>>, %arg3: memref<32x79x128xi32, #tpu.memory_space<hbm>>, %arg4: memref<32x79x128xi32, #tpu.memory_space<hbm>>, %arg5: memref<10240x128xf32, #tpu.memory_space<hbm>>, %arg6: memref<2x10240x128xf32, #tpu.memory_space<hbm>>, %arg7: memref<79x128xi32, #tpu.memory_space<vmem>>, %arg8: memref<79x128xi32, #tpu.memory_space<vmem>>, %arg9: memref<128x128xf32, #tpu.memory_space<vmem>>, %arg10: memref<10240x128xf32, #tpu.memory_space<vmem_shared>>, %arg11: memref<!tpu.dma_semaphore, #tpu.memory_space<semaphore_mem>>) attributes {dimension_semantics = [#tpu.dimension_semantics<core_parallel>, #tpu.dimension_semantics<subcore_parallel>], iteration_bounds = array<i64: 2, 16>, scalar_prefetch = 0 : i64, scratch_operands = 5 : i64, tpu.core_type = #tpu.core_type<sc_vector_subcore>, window_params = [{transform_indices = #map}, {transform_indices = #map1}, {transform_indices = #map1}, {transform_indices = #map}, {transform_indices = #map1}]} {
    %mul3A = arith.constant 2 : i32
    %mul3A_0 = arith.muli %arg1, %mul3A : i32
    %add3A = arith.addi %mul3A_0, %arg0 : i32
    %mul3A_1 = arith.constant 640 : i32
    %mul3A_2 = arith.muli %arg1, %mul3A_1 : i32
    %mul3A_3 = arith.constant 640 : i32
    %mul3A_4 = arith.muli %arg1, %mul3A_3 : i32
    "tpu.region"() ({
      %run_scoped3A = tpu.sem_alloc : memref<!tpu.dma_semaphore, #tpu.memory_space<semaphore_mem>>
      %dma_start3A = arith.constant 0 : i32
      %dma_start3A_15 = tpu.memref_slice %arg10[%mul3A_4, %dma_start3A] : memref<10240x128xf32, #tpu.memory_space<vmem_shared>> -> memref<640x128xf32, #tpu.memory_space<vmem_shared>>
      %dma_start3A_16 = arith.constant 0 : i32
      %dma_start3A_17 = tpu.memref_slice %arg5[%mul3A_2, %dma_start3A_16] : memref<10240x128xf32, #tpu.memory_space<hbm>> -> memref<640x128xf32, #tpu.memory_space<hbm>>
      tpu.enqueue_dma source(%dma_start3A_17 : memref<640x128xf32, #tpu.memory_space<hbm>>) target(%dma_start3A_15 : memref<640x128xf32, #tpu.memory_space<vmem_shared>>) target_semaphore(%run_scoped3A : memref<!tpu.dma_semaphore, #tpu.memory_space<semaphore_mem>>)
      %dma_wait3A = arith.constant 0 : i32
      %dma_wait3A_18 = tpu.memref_slice %arg10[%mul3A_4, %dma_wait3A] : memref<10240x128xf32, #tpu.memory_space<vmem_shared>> -> memref<640x128xf32, #tpu.memory_space<vmem_shared>>
      %dma_wait3A_19 = arith.constant 0 : i32
      %dma_wait3A_20 = tpu.memref_slice %arg5[%mul3A_2, %dma_wait3A_19] : memref<10240x128xf32, #tpu.memory_space<hbm>> -> memref<640x128xf32, #tpu.memory_space<hbm>>
      tpu.wait_dma2 semaphore(%run_scoped3A : memref<!tpu.dma_semaphore, #tpu.memory_space<semaphore_mem>>) src(%dma_wait3A_20 : memref<640x128xf32, #tpu.memory_space<hbm>>) dst(%dma_wait3A_18 : memref<640x128xf32, #tpu.memory_space<vmem_shared>>)
      tpu.yield
    }) : () -> ()
    "tpu.region"() ({
      %run_scoped3A = tpu.sem_alloc : memref<!tpu.dma_semaphore, #tpu.memory_space<semaphore_mem>>
      %dma_start3A = arith.constant 0 : i32
      %dma_start3A_15 = arith.constant 0 : i32
      %dma_start3A_16 = tpu.memref_slice %arg3[%add3A, %dma_start3A, %dma_start3A_15] : memref<32x79x128xi32, #tpu.memory_space<hbm>> -> memref<1x79x128xi32, #tpu.memory_space<hbm>>
      %dma_start3A_17 = tpu.memref_squeeze %dma_start3A_16 : memref<1x79x128xi32, #tpu.memory_space<hbm>> -> memref<79x128xi32, #tpu.memory_space<hbm>>
      %dma_start3A_18 = arith.constant 0 : i32
      %dma_start3A_19 = arith.constant 0 : i32
      %dma_start3A_20 = tpu.memref_slice %arg3[%add3A, %dma_start3A_18, %dma_start3A_19] : memref<32x79x128xi32, #tpu.memory_space<hbm>> -> memref<1x79x128xi32, #tpu.memory_space<hbm>>
      %dma_start3A_21 = tpu.memref_squeeze %dma_start3A_20 : memref<1x79x128xi32, #tpu.memory_space<hbm>> -> memref<79x128xi32, #tpu.memory_space<hbm>>
      tpu.enqueue_dma source(%dma_start3A_21 : memref<79x128xi32, #tpu.memory_space<hbm>>) target(%arg7 : memref<79x128xi32, #tpu.memory_space<vmem>>) target_semaphore(%run_scoped3A : memref<!tpu.dma_semaphore, #tpu.memory_space<semaphore_mem>>)
      %dma_wait3A = arith.constant 0 : i32
      %dma_wait3A_22 = arith.constant 0 : i32
      %dma_wait3A_23 = tpu.memref_slice %arg3[%add3A, %dma_wait3A, %dma_wait3A_22] : memref<32x79x128xi32, #tpu.memory_space<hbm>> -> memref<1x79x128xi32, #tpu.memory_space<hbm>>
      %dma_wait3A_24 = tpu.memref_squeeze %dma_wait3A_23 : memref<1x79x128xi32, #tpu.memory_space<hbm>> -> memref<79x128xi32, #tpu.memory_space<hbm>>
      %dma_wait3A_25 = arith.constant 0 : i32
      %dma_wait3A_26 = arith.constant 0 : i32
      %dma_wait3A_27 = tpu.memref_slice %arg3[%add3A, %dma_wait3A_25, %dma_wait3A_26] : memref<32x79x128xi32, #tpu.memory_space<hbm>> -> memref<1x79x128xi32, #tpu.memory_space<hbm>>
      %dma_wait3A_28 = tpu.memref_squeeze %dma_wait3A_27 : memref<1x79x128xi32, #tpu.memory_space<hbm>> -> memref<79x128xi32, #tpu.memory_space<hbm>>
      tpu.wait_dma2 semaphore(%run_scoped3A : memref<!tpu.dma_semaphore, #tpu.memory_space<semaphore_mem>>) src(%dma_wait3A_28 : memref<79x128xi32, #tpu.memory_space<hbm>>) dst(%arg7 : memref<79x128xi32, #tpu.memory_space<vmem>>)
      tpu.yield
    }) : () -> ()
    "tpu.region"() ({
      %run_scoped3A = tpu.sem_alloc : memref<!tpu.dma_semaphore, #tpu.memory_space<semaphore_mem>>
      %dma_start3A = arith.constant 0 : i32
      %dma_start3A_15 = arith.constant 0 : i32
      %dma_start3A_16 = tpu.memref_slice %arg4[%add3A, %dma_start3A, %dma_start3A_15] : memref<32x79x128xi32, #tpu.memory_space<hbm>> -> memref<1x79x128xi32, #tpu.memory_space<hbm>>
      %dma_start3A_17 = tpu.memref_squeeze %dma_start3A_16 : memref<1x79x128xi32, #tpu.memory_space<hbm>> -> memref<79x128xi32, #tpu.memory_space<hbm>>
      %dma_start3A_18 = arith.constant 0 : i32
      %dma_start3A_19 = arith.constant 0 : i32
      %dma_start3A_20 = tpu.memref_slice %arg4[%add3A, %dma_start3A_18, %dma_start3A_19] : memref<32x79x128xi32, #tpu.memory_space<hbm>> -> memref<1x79x128xi32, #tpu.memory_space<hbm>>
      %dma_start3A_21 = tpu.memref_squeeze %dma_start3A_20 : memref<1x79x128xi32, #tpu.memory_space<hbm>> -> memref<79x128xi32, #tpu.memory_space<hbm>>
      tpu.enqueue_dma source(%dma_start3A_21 : memref<79x128xi32, #tpu.memory_space<hbm>>) target(%arg8 : memref<79x128xi32, #tpu.memory_space<vmem>>) target_semaphore(%run_scoped3A : memref<!tpu.dma_semaphore, #tpu.memory_space<semaphore_mem>>)
      %dma_wait3A = arith.constant 0 : i32
      %dma_wait3A_22 = arith.constant 0 : i32
      %dma_wait3A_23 = tpu.memref_slice %arg4[%add3A, %dma_wait3A, %dma_wait3A_22] : memref<32x79x128xi32, #tpu.memory_space<hbm>> -> memref<1x79x128xi32, #tpu.memory_space<hbm>>
      %dma_wait3A_24 = tpu.memref_squeeze %dma_wait3A_23 : memref<1x79x128xi32, #tpu.memory_space<hbm>> -> memref<79x128xi32, #tpu.memory_space<hbm>>
      %dma_wait3A_25 = arith.constant 0 : i32
      %dma_wait3A_26 = arith.constant 0 : i32
      %dma_wait3A_27 = tpu.memref_slice %arg4[%add3A, %dma_wait3A_25, %dma_wait3A_26] : memref<32x79x128xi32, #tpu.memory_space<hbm>> -> memref<1x79x128xi32, #tpu.memory_space<hbm>>
      %dma_wait3A_28 = tpu.memref_squeeze %dma_wait3A_27 : memref<1x79x128xi32, #tpu.memory_space<hbm>> -> memref<79x128xi32, #tpu.memory_space<hbm>>
      tpu.wait_dma2 semaphore(%run_scoped3A : memref<!tpu.dma_semaphore, #tpu.memory_space<semaphore_mem>>) src(%dma_wait3A_28 : memref<79x128xi32, #tpu.memory_space<hbm>>) dst(%arg8 : memref<79x128xi32, #tpu.memory_space<vmem>>)
      tpu.yield
    }) : () -> ()
    %barrier3A = arith.constant 0 : index
    tpu.barrier barrier_id(%barrier3A)
    %scan3A = arith.constant 0 : i32
    %scan3A_5 = arith.constant 0 : i32
    %scan3A_6 = arith.constant 79 : i32
    %scan3A_7 = arith.addi %scan3A_5, %scan3A_6 : i32
    %scan3A_8 = arith.constant 1 : i32
    scf.for %scan3A_15 = %scan3A_5 to %scan3A_7 step %scan3A_8  : i32 {
      %dma_start3A = arith.constant 0 : i32
      %dma_start3A_16 = tpu.memref_slice %arg7[%scan3A_15, %dma_start3A] : memref<79x128xi32, #tpu.memory_space<vmem>> -> memref<1x128xi32, #tpu.memory_space<vmem>>
      %dma_start3A_17 = tpu.memref_squeeze %dma_start3A_16 : memref<1x128xi32, #tpu.memory_space<vmem>> -> memref<128xi32, #tpu.memory_space<vmem>>
      %dma_start3A_18 = arith.constant 0 : i32
      %dma_start3A_19 = arith.constant 0 : i32
      %dma_start3A_20 = tpu.memref_slice %arg2[%dma_start3A_18, %dma_start3A_19] : memref<10240x128xf32, #tpu.memory_space<hbm>> -> memref<10240x128xf32, #tpu.memory_space<hbm>>
      tpu.enqueue_indirect_dma source(%dma_start3A_20 : memref<10240x128xf32, #tpu.memory_space<hbm>>) target(%arg9 : memref<128x128xf32, #tpu.memory_space<vmem>>) offsets(%dma_start3A_17 : memref<128xi32, #tpu.memory_space<vmem>>) semaphore(%arg11 : memref<!tpu.dma_semaphore, #tpu.memory_space<semaphore_mem>>)
      %dma_wait3A = arith.constant 0 : i32
      %dma_wait3A_21 = tpu.memref_slice %arg7[%scan3A_15, %dma_wait3A] : memref<79x128xi32, #tpu.memory_space<vmem>> -> memref<1x128xi32, #tpu.memory_space<vmem>>
      %dma_wait3A_22 = tpu.memref_squeeze %dma_wait3A_21 : memref<1x128xi32, #tpu.memory_space<vmem>> -> memref<128xi32, #tpu.memory_space<vmem>>
      %dma_wait3A_23 = arith.constant 0 : i32
      %dma_wait3A_24 = arith.constant 0 : i32
      %dma_wait3A_25 = tpu.memref_slice %arg2[%dma_wait3A_23, %dma_wait3A_24] : memref<10240x128xf32, #tpu.memory_space<hbm>> -> memref<10240x128xf32, #tpu.memory_space<hbm>>
      tpu.wait_indirect_dma semaphore(%arg11 : memref<!tpu.dma_semaphore, #tpu.memory_space<semaphore_mem>>) src(%dma_wait3A_25 : memref<10240x128xf32, #tpu.memory_space<hbm>>) dst(%arg9 : memref<128x128xf32, #tpu.memory_space<vmem>>)
      "tpu.region"() ({
        %run_scoped3A = tpu.sem_alloc : memref<!tpu.dma_semaphore, #tpu.memory_space<semaphore_mem>>
        %dma_start3A_26 = arith.constant 0 : i32
        %dma_start3A_27 = tpu.memref_slice %arg8[%scan3A_15, %dma_start3A_26] : memref<79x128xi32, #tpu.memory_space<vmem>> -> memref<1x128xi32, #tpu.memory_space<vmem>>
        %dma_start3A_28 = tpu.memref_squeeze %dma_start3A_27 : memref<1x128xi32, #tpu.memory_space<vmem>> -> memref<128xi32, #tpu.memory_space<vmem>>
        %dma_start3A_29 = arith.constant 0 : i32
        %dma_start3A_30 = arith.constant 0 : i32
        %dma_start3A_31 = tpu.memref_slice %arg10[%dma_start3A_29, %dma_start3A_30] : memref<10240x128xf32, #tpu.memory_space<vmem_shared>> -> memref<10240x128xf32, #tpu.memory_space<vmem_shared>>
        tpu.enqueue_indirect_dma source(%arg9 : memref<128x128xf32, #tpu.memory_space<vmem>>) target(%dma_start3A_31 : memref<10240x128xf32, #tpu.memory_space<vmem_shared>>) offsets(%dma_start3A_28 : memref<128xi32, #tpu.memory_space<vmem>>) semaphore(%run_scoped3A : memref<!tpu.dma_semaphore, #tpu.memory_space<semaphore_mem>>) {add = true}
        %dma_wait3A_32 = arith.constant 0 : i32
        %dma_wait3A_33 = tpu.memref_slice %arg8[%scan3A_15, %dma_wait3A_32] : memref<79x128xi32, #tpu.memory_space<vmem>> -> memref<1x128xi32, #tpu.memory_space<vmem>>
        %dma_wait3A_34 = tpu.memref_squeeze %dma_wait3A_33 : memref<1x128xi32, #tpu.memory_space<vmem>> -> memref<128xi32, #tpu.memory_space<vmem>>
        %dma_wait3A_35 = arith.constant 0 : i32
        %dma_wait3A_36 = arith.constant 0 : i32
        %dma_wait3A_37 = tpu.memref_slice %arg10[%dma_wait3A_35, %dma_wait3A_36] : memref<10240x128xf32, #tpu.memory_space<vmem_shared>> -> memref<10240x128xf32, #tpu.memory_space<vmem_shared>>
        tpu.wait_indirect_dma semaphore(%run_scoped3A : memref<!tpu.dma_semaphore, #tpu.memory_space<semaphore_mem>>) src(%arg9 : memref<128x128xf32, #tpu.memory_space<vmem>>) dst(%dma_wait3A_37 : memref<10240x128xf32, #tpu.memory_space<vmem_shared>>)
        tpu.yield
      }) : () -> ()
    }
    %scan3A_9 = arith.constant 79 : i32
    %barrier3A_10 = arith.constant 0 : index
    tpu.barrier barrier_id(%barrier3A_10)
    %mul3A_11 = arith.constant 640 : i32
    %mul3A_12 = arith.muli %arg1, %mul3A_11 : i32
    %mul3A_13 = arith.constant 640 : i32
    %mul3A_14 = arith.muli %arg1, %mul3A_13 : i32
    "tpu.region"() ({
      %run_scoped3A = tpu.sem_alloc : memref<!tpu.dma_semaphore, #tpu.memory_space<semaphore_mem>>
      %dma_start3A = arith.constant 0 : i32
      %dma_start3A_15 = arith.constant 0 : i32
      %dma_start3A_16 = tpu.memref_slice %arg6[%arg0, %dma_start3A, %dma_start3A_15] : memref<2x10240x128xf32, #tpu.memory_space<hbm>> -> memref<1x10240x128xf32, #tpu.memory_space<hbm>>
      %dma_start3A_17 = tpu.memref_squeeze %dma_start3A_16 : memref<1x10240x128xf32, #tpu.memory_space<hbm>> -> memref<10240x128xf32, #tpu.memory_space<hbm>>
      %dma_start3A_18 = arith.constant 0 : i32
      %dma_start3A_19 = tpu.memref_slice %dma_start3A_17[%mul3A_14, %dma_start3A_18] : memref<10240x128xf32, #tpu.memory_space<hbm>> -> memref<640x128xf32, #tpu.memory_space<hbm>>
      %dma_start3A_20 = arith.constant 0 : i32
      %dma_start3A_21 = tpu.memref_slice %arg10[%mul3A_12, %dma_start3A_20] : memref<10240x128xf32, #tpu.memory_space<vmem_shared>> -> memref<640x128xf32, #tpu.memory_space<vmem_shared>>
      tpu.enqueue_dma source(%dma_start3A_21 : memref<640x128xf32, #tpu.memory_space<vmem_shared>>) target(%dma_start3A_19 : memref<640x128xf32, #tpu.memory_space<hbm>>) target_semaphore(%run_scoped3A : memref<!tpu.dma_semaphore, #tpu.memory_space<semaphore_mem>>)
      %dma_wait3A = arith.constant 0 : i32
      %dma_wait3A_22 = arith.constant 0 : i32
      %dma_wait3A_23 = tpu.memref_slice %arg6[%arg0, %dma_wait3A, %dma_wait3A_22] : memref<2x10240x128xf32, #tpu.memory_space<hbm>> -> memref<1x10240x128xf32, #tpu.memory_space<hbm>>
      %dma_wait3A_24 = tpu.memref_squeeze %dma_wait3A_23 : memref<1x10240x128xf32, #tpu.memory_space<hbm>> -> memref<10240x128xf32, #tpu.memory_space<hbm>>
      %dma_wait3A_25 = arith.constant 0 : i32
      %dma_wait3A_26 = tpu.memref_slice %dma_wait3A_24[%mul3A_14, %dma_wait3A_25] : memref<10240x128xf32, #tpu.memory_space<hbm>> -> memref<640x128xf32, #tpu.memory_space<hbm>>
      %dma_wait3A_27 = arith.constant 0 : i32
      %dma_wait3A_28 = tpu.memref_slice %arg10[%mul3A_12, %dma_wait3A_27] : memref<10240x128xf32, #tpu.memory_space<vmem_shared>> -> memref<640x128xf32, #tpu.memory_space<vmem_shared>>
      tpu.wait_dma2 semaphore(%run_scoped3A : memref<!tpu.dma_semaphore, #tpu.memory_space<semaphore_mem>>) src(%dma_wait3A_28 : memref<640x128xf32, #tpu.memory_space<vmem_shared>>) dst(%dma_wait3A_26 : memref<640x128xf32, #tpu.memory_space<hbm>>)
      tpu.yield
    }) : () -> ()
    return
  }
}

#map = affine_map<(d0, d1) -> (0, 0)>
#map1 = affine_map<(d0, d1) -> (0, 0, 0)>
module attributes {stable_mosaic.version = 14 : i64} {
  func.func @_sc_agg(%arg0: i32, %arg1: i32, %arg2: memref<10240x128xf32, #tpu.memory_space<hbm>>, %arg3: memref<32x79x128xi32, #tpu.memory_space<hbm>>, %arg4: memref<32x79x128xi32, #tpu.memory_space<hbm>>, %arg5: memref<10240x128xf32, #tpu.memory_space<hbm>>, %arg6: memref<2x10240x128xf32, #tpu.memory_space<hbm>>, %arg7: memref<79x128xi32, #tpu.memory_space<vmem>>, %arg8: memref<79x128xi32, #tpu.memory_space<vmem>>, %arg9: memref<128x128xf32, #tpu.memory_space<vmem>>, %arg10: memref<10240x128xf32, #tpu.memory_space<vmem_shared>>, %arg11: memref<!tpu.dma_semaphore, #tpu.memory_space<semaphore_mem>>) attributes {dimension_semantics = [#tpu.dimension_semantics<core_parallel>, #tpu.dimension_semantics<subcore_parallel>], iteration_bounds = array<i64: 2, 16>, scalar_prefetch = 0 : i64, scratch_operands = 5 : i64, tpu.core_type = #tpu.core_type<sc_vector_subcore>, window_params = [{transform_indices = #map}, {transform_indices = #map1}, {transform_indices = #map1}, {transform_indices = #map}, {transform_indices = #map1}]} {
    %mul3A = arith.constant 2 : i32
    %mul3A_0 = arith.muli %arg1, %mul3A : i32
    %add3A = arith.addi %mul3A_0, %arg0 : i32
    %mul3A_1 = arith.constant 640 : i32
    %mul3A_2 = arith.muli %arg1, %mul3A_1 : i32
    %mul3A_3 = arith.constant 640 : i32
    %mul3A_4 = arith.muli %arg1, %mul3A_3 : i32
    "tpu.region"() ({
      %run_scoped3A = tpu.sem_alloc : memref<!tpu.dma_semaphore, #tpu.memory_space<semaphore_mem>>
      %dma_start3A = arith.constant 0 : i32
      %dma_start3A_15 = tpu.memref_slice %arg10[%mul3A_4, %dma_start3A] : memref<10240x128xf32, #tpu.memory_space<vmem_shared>> -> memref<640x128xf32, #tpu.memory_space<vmem_shared>>
      %dma_start3A_16 = arith.constant 0 : i32
      %dma_start3A_17 = tpu.memref_slice %arg5[%mul3A_2, %dma_start3A_16] : memref<10240x128xf32, #tpu.memory_space<hbm>> -> memref<640x128xf32, #tpu.memory_space<hbm>>
      tpu.enqueue_dma source(%dma_start3A_17 : memref<640x128xf32, #tpu.memory_space<hbm>>) target(%dma_start3A_15 : memref<640x128xf32, #tpu.memory_space<vmem_shared>>) target_semaphore(%run_scoped3A : memref<!tpu.dma_semaphore, #tpu.memory_space<semaphore_mem>>)
      %dma_wait3A = arith.constant 0 : i32
      %dma_wait3A_18 = tpu.memref_slice %arg10[%mul3A_4, %dma_wait3A] : memref<10240x128xf32, #tpu.memory_space<vmem_shared>> -> memref<640x128xf32, #tpu.memory_space<vmem_shared>>
      %dma_wait3A_19 = arith.constant 0 : i32
      %dma_wait3A_20 = tpu.memref_slice %arg5[%mul3A_2, %dma_wait3A_19] : memref<10240x128xf32, #tpu.memory_space<hbm>> -> memref<640x128xf32, #tpu.memory_space<hbm>>
      tpu.wait_dma2 semaphore(%run_scoped3A : memref<!tpu.dma_semaphore, #tpu.memory_space<semaphore_mem>>) src(%dma_wait3A_20 : memref<640x128xf32, #tpu.memory_space<hbm>>) dst(%dma_wait3A_18 : memref<640x128xf32, #tpu.memory_space<vmem_shared>>)
      tpu.yield
    }) : () -> ()
    "tpu.region"() ({
      %run_scoped3A = tpu.sem_alloc : memref<!tpu.dma_semaphore, #tpu.memory_space<semaphore_mem>>
      %dma_start3A = arith.constant 0 : i32
      %dma_start3A_15 = arith.constant 0 : i32
      %dma_start3A_16 = tpu.memref_slice %arg3[%add3A, %dma_start3A, %dma_start3A_15] : memref<32x79x128xi32, #tpu.memory_space<hbm>> -> memref<1x79x128xi32, #tpu.memory_space<hbm>>
      %dma_start3A_17 = tpu.memref_squeeze %dma_start3A_16 : memref<1x79x128xi32, #tpu.memory_space<hbm>> -> memref<79x128xi32, #tpu.memory_space<hbm>>
      %dma_start3A_18 = arith.constant 0 : i32
      %dma_start3A_19 = arith.constant 0 : i32
      %dma_start3A_20 = tpu.memref_slice %arg3[%add3A, %dma_start3A_18, %dma_start3A_19] : memref<32x79x128xi32, #tpu.memory_space<hbm>> -> memref<1x79x128xi32, #tpu.memory_space<hbm>>
      %dma_start3A_21 = tpu.memref_squeeze %dma_start3A_20 : memref<1x79x128xi32, #tpu.memory_space<hbm>> -> memref<79x128xi32, #tpu.memory_space<hbm>>
      tpu.enqueue_dma source(%dma_start3A_21 : memref<79x128xi32, #tpu.memory_space<hbm>>) target(%arg7 : memref<79x128xi32, #tpu.memory_space<vmem>>) target_semaphore(%run_scoped3A : memref<!tpu.dma_semaphore, #tpu.memory_space<semaphore_mem>>)
      %dma_wait3A = arith.constant 0 : i32
      %dma_wait3A_22 = arith.constant 0 : i32
      %dma_wait3A_23 = tpu.memref_slice %arg3[%add3A, %dma_wait3A, %dma_wait3A_22] : memref<32x79x128xi32, #tpu.memory_space<hbm>> -> memref<1x79x128xi32, #tpu.memory_space<hbm>>
      %dma_wait3A_24 = tpu.memref_squeeze %dma_wait3A_23 : memref<1x79x128xi32, #tpu.memory_space<hbm>> -> memref<79x128xi32, #tpu.memory_space<hbm>>
      %dma_wait3A_25 = arith.constant 0 : i32
      %dma_wait3A_26 = arith.constant 0 : i32
      %dma_wait3A_27 = tpu.memref_slice %arg3[%add3A, %dma_wait3A_25, %dma_wait3A_26] : memref<32x79x128xi32, #tpu.memory_space<hbm>> -> memref<1x79x128xi32, #tpu.memory_space<hbm>>
      %dma_wait3A_28 = tpu.memref_squeeze %dma_wait3A_27 : memref<1x79x128xi32, #tpu.memory_space<hbm>> -> memref<79x128xi32, #tpu.memory_space<hbm>>
      tpu.wait_dma2 semaphore(%run_scoped3A : memref<!tpu.dma_semaphore, #tpu.memory_space<semaphore_mem>>) src(%dma_wait3A_28 : memref<79x128xi32, #tpu.memory_space<hbm>>) dst(%arg7 : memref<79x128xi32, #tpu.memory_space<vmem>>)
      tpu.yield
    }) : () -> ()
    "tpu.region"() ({
      %run_scoped3A = tpu.sem_alloc : memref<!tpu.dma_semaphore, #tpu.memory_space<semaphore_mem>>
      %dma_start3A = arith.constant 0 : i32
      %dma_start3A_15 = arith.constant 0 : i32
      %dma_start3A_16 = tpu.memref_slice %arg4[%add3A, %dma_start3A, %dma_start3A_15] : memref<32x79x128xi32, #tpu.memory_space<hbm>> -> memref<1x79x128xi32, #tpu.memory_space<hbm>>
      %dma_start3A_17 = tpu.memref_squeeze %dma_start3A_16 : memref<1x79x128xi32, #tpu.memory_space<hbm>> -> memref<79x128xi32, #tpu.memory_space<hbm>>
      %dma_start3A_18 = arith.constant 0 : i32
      %dma_start3A_19 = arith.constant 0 : i32
      %dma_start3A_20 = tpu.memref_slice %arg4[%add3A, %dma_start3A_18, %dma_start3A_19] : memref<32x79x128xi32, #tpu.memory_space<hbm>> -> memref<1x79x128xi32, #tpu.memory_space<hbm>>
      %dma_start3A_21 = tpu.memref_squeeze %dma_start3A_20 : memref<1x79x128xi32, #tpu.memory_space<hbm>> -> memref<79x128xi32, #tpu.memory_space<hbm>>
      tpu.enqueue_dma source(%dma_start3A_21 : memref<79x128xi32, #tpu.memory_space<hbm>>) target(%arg8 : memref<79x128xi32, #tpu.memory_space<vmem>>) target_semaphore(%run_scoped3A : memref<!tpu.dma_semaphore, #tpu.memory_space<semaphore_mem>>)
      %dma_wait3A = arith.constant 0 : i32
      %dma_wait3A_22 = arith.constant 0 : i32
      %dma_wait3A_23 = tpu.memref_slice %arg4[%add3A, %dma_wait3A, %dma_wait3A_22] : memref<32x79x128xi32, #tpu.memory_space<hbm>> -> memref<1x79x128xi32, #tpu.memory_space<hbm>>
      %dma_wait3A_24 = tpu.memref_squeeze %dma_wait3A_23 : memref<1x79x128xi32, #tpu.memory_space<hbm>> -> memref<79x128xi32, #tpu.memory_space<hbm>>
      %dma_wait3A_25 = arith.constant 0 : i32
      %dma_wait3A_26 = arith.constant 0 : i32
      %dma_wait3A_27 = tpu.memref_slice %arg4[%add3A, %dma_wait3A_25, %dma_wait3A_26] : memref<32x79x128xi32, #tpu.memory_space<hbm>> -> memref<1x79x128xi32, #tpu.memory_space<hbm>>
      %dma_wait3A_28 = tpu.memref_squeeze %dma_wait3A_27 : memref<1x79x128xi32, #tpu.memory_space<hbm>> -> memref<79x128xi32, #tpu.memory_space<hbm>>
      tpu.wait_dma2 semaphore(%run_scoped3A : memref<!tpu.dma_semaphore, #tpu.memory_space<semaphore_mem>>) src(%dma_wait3A_28 : memref<79x128xi32, #tpu.memory_space<hbm>>) dst(%arg8 : memref<79x128xi32, #tpu.memory_space<vmem>>)
      tpu.yield
    }) : () -> ()
    %barrier3A = arith.constant 0 : index
    tpu.barrier barrier_id(%barrier3A)
    %scan3A = arith.constant 0 : i32
    %scan3A_5 = arith.constant 0 : i32
    %scan3A_6 = arith.constant 79 : i32
    %scan3A_7 = arith.addi %scan3A_5, %scan3A_6 : i32
    %scan3A_8 = arith.constant 1 : i32
    scf.for %scan3A_15 = %scan3A_5 to %scan3A_7 step %scan3A_8  : i32 {
      %dma_start3A = arith.constant 0 : i32
      %dma_start3A_16 = tpu.memref_slice %arg7[%scan3A_15, %dma_start3A] : memref<79x128xi32, #tpu.memory_space<vmem>> -> memref<1x128xi32, #tpu.memory_space<vmem>>
      %dma_start3A_17 = tpu.memref_squeeze %dma_start3A_16 : memref<1x128xi32, #tpu.memory_space<vmem>> -> memref<128xi32, #tpu.memory_space<vmem>>
      %dma_start3A_18 = arith.constant 0 : i32
      %dma_start3A_19 = arith.constant 0 : i32
      %dma_start3A_20 = tpu.memref_slice %arg2[%dma_start3A_18, %dma_start3A_19] : memref<10240x128xf32, #tpu.memory_space<hbm>> -> memref<10240x128xf32, #tpu.memory_space<hbm>>
      tpu.enqueue_indirect_dma source(%dma_start3A_20 : memref<10240x128xf32, #tpu.memory_space<hbm>>) target(%arg9 : memref<128x128xf32, #tpu.memory_space<vmem>>) offsets(%dma_start3A_17 : memref<128xi32, #tpu.memory_space<vmem>>) semaphore(%arg11 : memref<!tpu.dma_semaphore, #tpu.memory_space<semaphore_mem>>)
      %dma_wait3A = arith.constant 0 : i32
      %dma_wait3A_21 = tpu.memref_slice %arg7[%scan3A_15, %dma_wait3A] : memref<79x128xi32, #tpu.memory_space<vmem>> -> memref<1x128xi32, #tpu.memory_space<vmem>>
      %dma_wait3A_22 = tpu.memref_squeeze %dma_wait3A_21 : memref<1x128xi32, #tpu.memory_space<vmem>> -> memref<128xi32, #tpu.memory_space<vmem>>
      %dma_wait3A_23 = arith.constant 0 : i32
      %dma_wait3A_24 = arith.constant 0 : i32
      %dma_wait3A_25 = tpu.memref_slice %arg2[%dma_wait3A_23, %dma_wait3A_24] : memref<10240x128xf32, #tpu.memory_space<hbm>> -> memref<10240x128xf32, #tpu.memory_space<hbm>>
      tpu.wait_indirect_dma semaphore(%arg11 : memref<!tpu.dma_semaphore, #tpu.memory_space<semaphore_mem>>) src(%dma_wait3A_25 : memref<10240x128xf32, #tpu.memory_space<hbm>>) dst(%arg9 : memref<128x128xf32, #tpu.memory_space<vmem>>)
      "tpu.region"() ({
        %run_scoped3A = tpu.sem_alloc : memref<!tpu.dma_semaphore, #tpu.memory_space<semaphore_mem>>
        %dma_start3A_26 = arith.constant 0 : i32
        %dma_start3A_27 = tpu.memref_slice %arg8[%scan3A_15, %dma_start3A_26] : memref<79x128xi32, #tpu.memory_space<vmem>> -> memref<1x128xi32, #tpu.memory_space<vmem>>
        %dma_start3A_28 = tpu.memref_squeeze %dma_start3A_27 : memref<1x128xi32, #tpu.memory_space<vmem>> -> memref<128xi32, #tpu.memory_space<vmem>>
        %dma_start3A_29 = arith.constant 0 : i32
        %dma_start3A_30 = arith.constant 0 : i32
        %dma_start3A_31 = tpu.memref_slice %arg10[%dma_start3A_29, %dma_start3A_30] : memref<10240x128xf32, #tpu.memory_space<vmem_shared>> -> memref<10240x128xf32, #tpu.memory_space<vmem_shared>>
        tpu.enqueue_indirect_dma source(%arg9 : memref<128x128xf32, #tpu.memory_space<vmem>>) target(%dma_start3A_31 : memref<10240x128xf32, #tpu.memory_space<vmem_shared>>) offsets(%dma_start3A_28 : memref<128xi32, #tpu.memory_space<vmem>>) semaphore(%run_scoped3A : memref<!tpu.dma_semaphore, #tpu.memory_space<semaphore_mem>>) {add = true}
        %dma_wait3A_32 = arith.constant 0 : i32
        %dma_wait3A_33 = tpu.memref_slice %arg8[%scan3A_15, %dma_wait3A_32] : memref<79x128xi32, #tpu.memory_space<vmem>> -> memref<1x128xi32, #tpu.memory_space<vmem>>
        %dma_wait3A_34 = tpu.memref_squeeze %dma_wait3A_33 : memref<1x128xi32, #tpu.memory_space<vmem>> -> memref<128xi32, #tpu.memory_space<vmem>>
        %dma_wait3A_35 = arith.constant 0 : i32
        %dma_wait3A_36 = arith.constant 0 : i32
        %dma_wait3A_37 = tpu.memref_slice %arg10[%dma_wait3A_35, %dma_wait3A_36] : memref<10240x128xf32, #tpu.memory_space<vmem_shared>> -> memref<10240x128xf32, #tpu.memory_space<vmem_shared>>
        tpu.wait_indirect_dma semaphore(%run_scoped3A : memref<!tpu.dma_semaphore, #tpu.memory_space<semaphore_mem>>) src(%arg9 : memref<128x128xf32, #tpu.memory_space<vmem>>) dst(%dma_wait3A_37 : memref<10240x128xf32, #tpu.memory_space<vmem_shared>>)
        tpu.yield
      }) : () -> ()
    }
    %scan3A_9 = arith.constant 79 : i32
    %barrier3A_10 = arith.constant 0 : index
    tpu.barrier barrier_id(%barrier3A_10)
    %mul3A_11 = arith.constant 640 : i32
    %mul3A_12 = arith.muli %arg1, %mul3A_11 : i32
    %mul3A_13 = arith.constant 640 : i32
    %mul3A_14 = arith.muli %arg1, %mul3A_13 : i32
    "tpu.region"() ({
      %run_scoped3A = tpu.sem_alloc : memref<!tpu.dma_semaphore, #tpu.memory_space<semaphore_mem>>
      %dma_start3A = arith.constant 0 : i32
      %dma_start3A_15 = arith.constant 0 : i32
      %dma_start3A_16 = tpu.memref_slice %arg6[%arg0, %dma_start3A, %dma_start3A_15] : memref<2x10240x128xf32, #tpu.memory_space<hbm>> -> memref<1x10240x128xf32, #tpu.memory_space<hbm>>
      %dma_start3A_17 = tpu.memref_squeeze %dma_start3A_16 : memref<1x10240x128xf32, #tpu.memory_space<hbm>> -> memref<10240x128xf32, #tpu.memory_space<hbm>>
      %dma_start3A_18 = arith.constant 0 : i32
      %dma_start3A_19 = tpu.memref_slice %dma_start3A_17[%mul3A_14, %dma_start3A_18] : memref<10240x128xf32, #tpu.memory_space<hbm>> -> memref<640x128xf32, #tpu.memory_space<hbm>>
      %dma_start3A_20 = arith.constant 0 : i32
      %dma_start3A_21 = tpu.memref_slice %arg10[%mul3A_12, %dma_start3A_20] : memref<10240x128xf32, #tpu.memory_space<vmem_shared>> -> memref<640x128xf32, #tpu.memory_space<vmem_shared>>
      tpu.enqueue_dma source(%dma_start3A_21 : memref<640x128xf32, #tpu.memory_space<vmem_shared>>) target(%dma_start3A_19 : memref<640x128xf32, #tpu.memory_space<hbm>>) target_semaphore(%run_scoped3A : memref<!tpu.dma_semaphore, #tpu.memory_space<semaphore_mem>>)
      %dma_wait3A = arith.constant 0 : i32
      %dma_wait3A_22 = arith.constant 0 : i32
      %dma_wait3A_23 = tpu.memref_slice %arg6[%arg0, %dma_wait3A, %dma_wait3A_22] : memref<2x10240x128xf32, #tpu.memory_space<hbm>> -> memref<1x10240x128xf32, #tpu.memory_space<hbm>>
      %dma_wait3A_24 = tpu.memref_squeeze %dma_wait3A_23 : memref<1x10240x128xf32, #tpu.memory_space<hbm>> -> memref<10240x128xf32, #tpu.memory_space<hbm>>
      %dma_wait3A_25 = arith.constant 0 : i32
      %dma_wait3A_26 = tpu.memref_slice %dma_wait3A_24[%mul3A_14, %dma_wait3A_25] : memref<10240x128xf32, #tpu.memory_space<hbm>> -> memref<640x128xf32, #tpu.memory_space<hbm>>
      %dma_wait3A_27 = arith.constant 0 : i32
      %dma_wait3A_28 = tpu.memref_slice %arg10[%mul3A_12, %dma_wait3A_27] : memref<10240x128xf32, #tpu.memory_space<vmem_shared>> -> memref<640x128xf32, #tpu.memory_space<vmem_shared>>
      tpu.wait_dma2 semaphore(%run_scoped3A : memref<!tpu.dma_semaphore, #tpu.memory_space<semaphore_mem>>) src(%dma_wait3A_28 : memref<640x128xf32, #tpu.memory_space<vmem_shared>>) dst(%dma_wait3A_26 : memref<640x128xf32, #tpu.memory_space<hbm>>)
      tpu.yield
    }) : () -> ()
    return
  }
}

#map = affine_map<(d0, d1) -> (0, 0)>
#map1 = affine_map<(d0, d1) -> (0, 0, 0)>
module attributes {stable_mosaic.version = 14 : i64} {
  func.func @_sc_agg(%arg0: i32, %arg1: i32, %arg2: memref<10240x128xf32, #tpu.memory_space<hbm>>, %arg3: memref<32x79x128xi32, #tpu.memory_space<hbm>>, %arg4: memref<32x79x128xi32, #tpu.memory_space<hbm>>, %arg5: memref<10240x128xf32, #tpu.memory_space<hbm>>, %arg6: memref<2x10240x128xf32, #tpu.memory_space<hbm>>, %arg7: memref<79x128xi32, #tpu.memory_space<vmem>>, %arg8: memref<79x128xi32, #tpu.memory_space<vmem>>, %arg9: memref<128x128xf32, #tpu.memory_space<vmem>>, %arg10: memref<10240x128xf32, #tpu.memory_space<vmem_shared>>, %arg11: memref<!tpu.dma_semaphore, #tpu.memory_space<semaphore_mem>>) attributes {dimension_semantics = [#tpu.dimension_semantics<core_parallel>, #tpu.dimension_semantics<subcore_parallel>], iteration_bounds = array<i64: 2, 16>, scalar_prefetch = 0 : i64, scratch_operands = 5 : i64, tpu.core_type = #tpu.core_type<sc_vector_subcore>, window_params = [{transform_indices = #map}, {transform_indices = #map1}, {transform_indices = #map1}, {transform_indices = #map}, {transform_indices = #map1}]} {
    %mul3A = arith.constant 2 : i32
    %mul3A_0 = arith.muli %arg1, %mul3A : i32
    %add3A = arith.addi %mul3A_0, %arg0 : i32
    %mul3A_1 = arith.constant 640 : i32
    %mul3A_2 = arith.muli %arg1, %mul3A_1 : i32
    %mul3A_3 = arith.constant 640 : i32
    %mul3A_4 = arith.muli %arg1, %mul3A_3 : i32
    "tpu.region"() ({
      %run_scoped3A = tpu.sem_alloc : memref<!tpu.dma_semaphore, #tpu.memory_space<semaphore_mem>>
      %dma_start3A = arith.constant 0 : i32
      %dma_start3A_15 = tpu.memref_slice %arg10[%mul3A_4, %dma_start3A] : memref<10240x128xf32, #tpu.memory_space<vmem_shared>> -> memref<640x128xf32, #tpu.memory_space<vmem_shared>>
      %dma_start3A_16 = arith.constant 0 : i32
      %dma_start3A_17 = tpu.memref_slice %arg5[%mul3A_2, %dma_start3A_16] : memref<10240x128xf32, #tpu.memory_space<hbm>> -> memref<640x128xf32, #tpu.memory_space<hbm>>
      tpu.enqueue_dma source(%dma_start3A_17 : memref<640x128xf32, #tpu.memory_space<hbm>>) target(%dma_start3A_15 : memref<640x128xf32, #tpu.memory_space<vmem_shared>>) target_semaphore(%run_scoped3A : memref<!tpu.dma_semaphore, #tpu.memory_space<semaphore_mem>>)
      %dma_wait3A = arith.constant 0 : i32
      %dma_wait3A_18 = tpu.memref_slice %arg10[%mul3A_4, %dma_wait3A] : memref<10240x128xf32, #tpu.memory_space<vmem_shared>> -> memref<640x128xf32, #tpu.memory_space<vmem_shared>>
      %dma_wait3A_19 = arith.constant 0 : i32
      %dma_wait3A_20 = tpu.memref_slice %arg5[%mul3A_2, %dma_wait3A_19] : memref<10240x128xf32, #tpu.memory_space<hbm>> -> memref<640x128xf32, #tpu.memory_space<hbm>>
      tpu.wait_dma2 semaphore(%run_scoped3A : memref<!tpu.dma_semaphore, #tpu.memory_space<semaphore_mem>>) src(%dma_wait3A_20 : memref<640x128xf32, #tpu.memory_space<hbm>>) dst(%dma_wait3A_18 : memref<640x128xf32, #tpu.memory_space<vmem_shared>>)
      tpu.yield
    }) : () -> ()
    "tpu.region"() ({
      %run_scoped3A = tpu.sem_alloc : memref<!tpu.dma_semaphore, #tpu.memory_space<semaphore_mem>>
      %dma_start3A = arith.constant 0 : i32
      %dma_start3A_15 = arith.constant 0 : i32
      %dma_start3A_16 = tpu.memref_slice %arg3[%add3A, %dma_start3A, %dma_start3A_15] : memref<32x79x128xi32, #tpu.memory_space<hbm>> -> memref<1x79x128xi32, #tpu.memory_space<hbm>>
      %dma_start3A_17 = tpu.memref_squeeze %dma_start3A_16 : memref<1x79x128xi32, #tpu.memory_space<hbm>> -> memref<79x128xi32, #tpu.memory_space<hbm>>
      %dma_start3A_18 = arith.constant 0 : i32
      %dma_start3A_19 = arith.constant 0 : i32
      %dma_start3A_20 = tpu.memref_slice %arg3[%add3A, %dma_start3A_18, %dma_start3A_19] : memref<32x79x128xi32, #tpu.memory_space<hbm>> -> memref<1x79x128xi32, #tpu.memory_space<hbm>>
      %dma_start3A_21 = tpu.memref_squeeze %dma_start3A_20 : memref<1x79x128xi32, #tpu.memory_space<hbm>> -> memref<79x128xi32, #tpu.memory_space<hbm>>
      tpu.enqueue_dma source(%dma_start3A_21 : memref<79x128xi32, #tpu.memory_space<hbm>>) target(%arg7 : memref<79x128xi32, #tpu.memory_space<vmem>>) target_semaphore(%run_scoped3A : memref<!tpu.dma_semaphore, #tpu.memory_space<semaphore_mem>>)
      %dma_wait3A = arith.constant 0 : i32
      %dma_wait3A_22 = arith.constant 0 : i32
      %dma_wait3A_23 = tpu.memref_slice %arg3[%add3A, %dma_wait3A, %dma_wait3A_22] : memref<32x79x128xi32, #tpu.memory_space<hbm>> -> memref<1x79x128xi32, #tpu.memory_space<hbm>>
      %dma_wait3A_24 = tpu.memref_squeeze %dma_wait3A_23 : memref<1x79x128xi32, #tpu.memory_space<hbm>> -> memref<79x128xi32, #tpu.memory_space<hbm>>
      %dma_wait3A_25 = arith.constant 0 : i32
      %dma_wait3A_26 = arith.constant 0 : i32
      %dma_wait3A_27 = tpu.memref_slice %arg3[%add3A, %dma_wait3A_25, %dma_wait3A_26] : memref<32x79x128xi32, #tpu.memory_space<hbm>> -> memref<1x79x128xi32, #tpu.memory_space<hbm>>
      %dma_wait3A_28 = tpu.memref_squeeze %dma_wait3A_27 : memref<1x79x128xi32, #tpu.memory_space<hbm>> -> memref<79x128xi32, #tpu.memory_space<hbm>>
      tpu.wait_dma2 semaphore(%run_scoped3A : memref<!tpu.dma_semaphore, #tpu.memory_space<semaphore_mem>>) src(%dma_wait3A_28 : memref<79x128xi32, #tpu.memory_space<hbm>>) dst(%arg7 : memref<79x128xi32, #tpu.memory_space<vmem>>)
      tpu.yield
    }) : () -> ()
    "tpu.region"() ({
      %run_scoped3A = tpu.sem_alloc : memref<!tpu.dma_semaphore, #tpu.memory_space<semaphore_mem>>
      %dma_start3A = arith.constant 0 : i32
      %dma_start3A_15 = arith.constant 0 : i32
      %dma_start3A_16 = tpu.memref_slice %arg4[%add3A, %dma_start3A, %dma_start3A_15] : memref<32x79x128xi32, #tpu.memory_space<hbm>> -> memref<1x79x128xi32, #tpu.memory_space<hbm>>
      %dma_start3A_17 = tpu.memref_squeeze %dma_start3A_16 : memref<1x79x128xi32, #tpu.memory_space<hbm>> -> memref<79x128xi32, #tpu.memory_space<hbm>>
      %dma_start3A_18 = arith.constant 0 : i32
      %dma_start3A_19 = arith.constant 0 : i32
      %dma_start3A_20 = tpu.memref_slice %arg4[%add3A, %dma_start3A_18, %dma_start3A_19] : memref<32x79x128xi32, #tpu.memory_space<hbm>> -> memref<1x79x128xi32, #tpu.memory_space<hbm>>
      %dma_start3A_21 = tpu.memref_squeeze %dma_start3A_20 : memref<1x79x128xi32, #tpu.memory_space<hbm>> -> memref<79x128xi32, #tpu.memory_space<hbm>>
      tpu.enqueue_dma source(%dma_start3A_21 : memref<79x128xi32, #tpu.memory_space<hbm>>) target(%arg8 : memref<79x128xi32, #tpu.memory_space<vmem>>) target_semaphore(%run_scoped3A : memref<!tpu.dma_semaphore, #tpu.memory_space<semaphore_mem>>)
      %dma_wait3A = arith.constant 0 : i32
      %dma_wait3A_22 = arith.constant 0 : i32
      %dma_wait3A_23 = tpu.memref_slice %arg4[%add3A, %dma_wait3A, %dma_wait3A_22] : memref<32x79x128xi32, #tpu.memory_space<hbm>> -> memref<1x79x128xi32, #tpu.memory_space<hbm>>
      %dma_wait3A_24 = tpu.memref_squeeze %dma_wait3A_23 : memref<1x79x128xi32, #tpu.memory_space<hbm>> -> memref<79x128xi32, #tpu.memory_space<hbm>>
      %dma_wait3A_25 = arith.constant 0 : i32
      %dma_wait3A_26 = arith.constant 0 : i32
      %dma_wait3A_27 = tpu.memref_slice %arg4[%add3A, %dma_wait3A_25, %dma_wait3A_26] : memref<32x79x128xi32, #tpu.memory_space<hbm>> -> memref<1x79x128xi32, #tpu.memory_space<hbm>>
      %dma_wait3A_28 = tpu.memref_squeeze %dma_wait3A_27 : memref<1x79x128xi32, #tpu.memory_space<hbm>> -> memref<79x128xi32, #tpu.memory_space<hbm>>
      tpu.wait_dma2 semaphore(%run_scoped3A : memref<!tpu.dma_semaphore, #tpu.memory_space<semaphore_mem>>) src(%dma_wait3A_28 : memref<79x128xi32, #tpu.memory_space<hbm>>) dst(%arg8 : memref<79x128xi32, #tpu.memory_space<vmem>>)
      tpu.yield
    }) : () -> ()
    %barrier3A = arith.constant 0 : index
    tpu.barrier barrier_id(%barrier3A)
    %scan3A = arith.constant 0 : i32
    %scan3A_5 = arith.constant 0 : i32
    %scan3A_6 = arith.constant 79 : i32
    %scan3A_7 = arith.addi %scan3A_5, %scan3A_6 : i32
    %scan3A_8 = arith.constant 1 : i32
    scf.for %scan3A_15 = %scan3A_5 to %scan3A_7 step %scan3A_8  : i32 {
      %dma_start3A = arith.constant 0 : i32
      %dma_start3A_16 = tpu.memref_slice %arg7[%scan3A_15, %dma_start3A] : memref<79x128xi32, #tpu.memory_space<vmem>> -> memref<1x128xi32, #tpu.memory_space<vmem>>
      %dma_start3A_17 = tpu.memref_squeeze %dma_start3A_16 : memref<1x128xi32, #tpu.memory_space<vmem>> -> memref<128xi32, #tpu.memory_space<vmem>>
      %dma_start3A_18 = arith.constant 0 : i32
      %dma_start3A_19 = arith.constant 0 : i32
      %dma_start3A_20 = tpu.memref_slice %arg2[%dma_start3A_18, %dma_start3A_19] : memref<10240x128xf32, #tpu.memory_space<hbm>> -> memref<10240x128xf32, #tpu.memory_space<hbm>>
      tpu.enqueue_indirect_dma source(%dma_start3A_20 : memref<10240x128xf32, #tpu.memory_space<hbm>>) target(%arg9 : memref<128x128xf32, #tpu.memory_space<vmem>>) offsets(%dma_start3A_17 : memref<128xi32, #tpu.memory_space<vmem>>) semaphore(%arg11 : memref<!tpu.dma_semaphore, #tpu.memory_space<semaphore_mem>>)
      %dma_wait3A = arith.constant 0 : i32
      %dma_wait3A_21 = tpu.memref_slice %arg7[%scan3A_15, %dma_wait3A] : memref<79x128xi32, #tpu.memory_space<vmem>> -> memref<1x128xi32, #tpu.memory_space<vmem>>
      %dma_wait3A_22 = tpu.memref_squeeze %dma_wait3A_21 : memref<1x128xi32, #tpu.memory_space<vmem>> -> memref<128xi32, #tpu.memory_space<vmem>>
      %dma_wait3A_23 = arith.constant 0 : i32
      %dma_wait3A_24 = arith.constant 0 : i32
      %dma_wait3A_25 = tpu.memref_slice %arg2[%dma_wait3A_23, %dma_wait3A_24] : memref<10240x128xf32, #tpu.memory_space<hbm>> -> memref<10240x128xf32, #tpu.memory_space<hbm>>
      tpu.wait_indirect_dma semaphore(%arg11 : memref<!tpu.dma_semaphore, #tpu.memory_space<semaphore_mem>>) src(%dma_wait3A_25 : memref<10240x128xf32, #tpu.memory_space<hbm>>) dst(%arg9 : memref<128x128xf32, #tpu.memory_space<vmem>>)
      "tpu.region"() ({
        %run_scoped3A = tpu.sem_alloc : memref<!tpu.dma_semaphore, #tpu.memory_space<semaphore_mem>>
        %dma_start3A_26 = arith.constant 0 : i32
        %dma_start3A_27 = tpu.memref_slice %arg8[%scan3A_15, %dma_start3A_26] : memref<79x128xi32, #tpu.memory_space<vmem>> -> memref<1x128xi32, #tpu.memory_space<vmem>>
        %dma_start3A_28 = tpu.memref_squeeze %dma_start3A_27 : memref<1x128xi32, #tpu.memory_space<vmem>> -> memref<128xi32, #tpu.memory_space<vmem>>
        %dma_start3A_29 = arith.constant 0 : i32
        %dma_start3A_30 = arith.constant 0 : i32
        %dma_start3A_31 = tpu.memref_slice %arg10[%dma_start3A_29, %dma_start3A_30] : memref<10240x128xf32, #tpu.memory_space<vmem_shared>> -> memref<10240x128xf32, #tpu.memory_space<vmem_shared>>
        tpu.enqueue_indirect_dma source(%arg9 : memref<128x128xf32, #tpu.memory_space<vmem>>) target(%dma_start3A_31 : memref<10240x128xf32, #tpu.memory_space<vmem_shared>>) offsets(%dma_start3A_28 : memref<128xi32, #tpu.memory_space<vmem>>) semaphore(%run_scoped3A : memref<!tpu.dma_semaphore, #tpu.memory_space<semaphore_mem>>) {add = true}
        %dma_wait3A_32 = arith.constant 0 : i32
        %dma_wait3A_33 = tpu.memref_slice %arg8[%scan3A_15, %dma_wait3A_32] : memref<79x128xi32, #tpu.memory_space<vmem>> -> memref<1x128xi32, #tpu.memory_space<vmem>>
        %dma_wait3A_34 = tpu.memref_squeeze %dma_wait3A_33 : memref<1x128xi32, #tpu.memory_space<vmem>> -> memref<128xi32, #tpu.memory_space<vmem>>
        %dma_wait3A_35 = arith.constant 0 : i32
        %dma_wait3A_36 = arith.constant 0 : i32
        %dma_wait3A_37 = tpu.memref_slice %arg10[%dma_wait3A_35, %dma_wait3A_36] : memref<10240x128xf32, #tpu.memory_space<vmem_shared>> -> memref<10240x128xf32, #tpu.memory_space<vmem_shared>>
        tpu.wait_indirect_dma semaphore(%run_scoped3A : memref<!tpu.dma_semaphore, #tpu.memory_space<semaphore_mem>>) src(%arg9 : memref<128x128xf32, #tpu.memory_space<vmem>>) dst(%dma_wait3A_37 : memref<10240x128xf32, #tpu.memory_space<vmem_shared>>)
        tpu.yield
      }) : () -> ()
    }
    %scan3A_9 = arith.constant 79 : i32
    %barrier3A_10 = arith.constant 0 : index
    tpu.barrier barrier_id(%barrier3A_10)
    %mul3A_11 = arith.constant 640 : i32
    %mul3A_12 = arith.muli %arg1, %mul3A_11 : i32
    %mul3A_13 = arith.constant 640 : i32
    %mul3A_14 = arith.muli %arg1, %mul3A_13 : i32
    "tpu.region"() ({
      %run_scoped3A = tpu.sem_alloc : memref<!tpu.dma_semaphore, #tpu.memory_space<semaphore_mem>>
      %dma_start3A = arith.constant 0 : i32
      %dma_start3A_15 = arith.constant 0 : i32
      %dma_start3A_16 = tpu.memref_slice %arg6[%arg0, %dma_start3A, %dma_start3A_15] : memref<2x10240x128xf32, #tpu.memory_space<hbm>> -> memref<1x10240x128xf32, #tpu.memory_space<hbm>>
      %dma_start3A_17 = tpu.memref_squeeze %dma_start3A_16 : memref<1x10240x128xf32, #tpu.memory_space<hbm>> -> memref<10240x128xf32, #tpu.memory_space<hbm>>
      %dma_start3A_18 = arith.constant 0 : i32
      %dma_start3A_19 = tpu.memref_slice %dma_start3A_17[%mul3A_14, %dma_start3A_18] : memref<10240x128xf32, #tpu.memory_space<hbm>> -> memref<640x128xf32, #tpu.memory_space<hbm>>
      %dma_start3A_20 = arith.constant 0 : i32
      %dma_start3A_21 = tpu.memref_slice %arg10[%mul3A_12, %dma_start3A_20] : memref<10240x128xf32, #tpu.memory_space<vmem_shared>> -> memref<640x128xf32, #tpu.memory_space<vmem_shared>>
      tpu.enqueue_dma source(%dma_start3A_21 : memref<640x128xf32, #tpu.memory_space<vmem_shared>>) target(%dma_start3A_19 : memref<640x128xf32, #tpu.memory_space<hbm>>) target_semaphore(%run_scoped3A : memref<!tpu.dma_semaphore, #tpu.memory_space<semaphore_mem>>)
      %dma_wait3A = arith.constant 0 : i32
      %dma_wait3A_22 = arith.constant 0 : i32
      %dma_wait3A_23 = tpu.memref_slice %arg6[%arg0, %dma_wait3A, %dma_wait3A_22] : memref<2x10240x128xf32, #tpu.memory_space<hbm>> -> memref<1x10240x128xf32, #tpu.memory_space<hbm>>
      %dma_wait3A_24 = tpu.memref_squeeze %dma_wait3A_23 : memref<1x10240x128xf32, #tpu.memory_space<hbm>> -> memref<10240x128xf32, #tpu.memory_space<hbm>>
      %dma_wait3A_25 = arith.constant 0 : i32
      %dma_wait3A_26 = tpu.memref_slice %dma_wait3A_24[%mul3A_14, %dma_wait3A_25] : memref<10240x128xf32, #tpu.memory_space<hbm>> -> memref<640x128xf32, #tpu.memory_space<hbm>>
      %dma_wait3A_27 = arith.constant 0 : i32
      %dma_wait3A_28 = tpu.memref_slice %arg10[%mul3A_12, %dma_wait3A_27] : memref<10240x128xf32, #tpu.memory_space<vmem_shared>> -> memref<640x128xf32, #tpu.memory_space<vmem_shared>>
      tpu.wait_dma2 semaphore(%run_scoped3A : memref<!tpu.dma_semaphore, #tpu.memory_space<semaphore_mem>>) src(%dma_wait3A_28 : memref<640x128xf32, #tpu.memory_space<vmem_shared>>) dst(%dma_wait3A_26 : memref<640x128xf32, #tpu.memory_space<hbm>>)
      tpu.yield
    }) : () -> ()
    return
  }
}

#map = affine_map<(d0, d1) -> (0, 0)>
#map1 = affine_map<(d0, d1) -> (0, 0, 0)>
module attributes {stable_mosaic.version = 14 : i64} {
  func.func @_sc_agg(%arg0: i32, %arg1: i32, %arg2: memref<10240x128xf32, #tpu.memory_space<hbm>>, %arg3: memref<32x79x128xi32, #tpu.memory_space<hbm>>, %arg4: memref<32x79x128xi32, #tpu.memory_space<hbm>>, %arg5: memref<10240x128xf32, #tpu.memory_space<hbm>>, %arg6: memref<2x10240x128xf32, #tpu.memory_space<hbm>>, %arg7: memref<79x128xi32, #tpu.memory_space<vmem>>, %arg8: memref<79x128xi32, #tpu.memory_space<vmem>>, %arg9: memref<128x128xf32, #tpu.memory_space<vmem>>, %arg10: memref<10240x128xf32, #tpu.memory_space<vmem_shared>>, %arg11: memref<!tpu.dma_semaphore, #tpu.memory_space<semaphore_mem>>) attributes {dimension_semantics = [#tpu.dimension_semantics<core_parallel>, #tpu.dimension_semantics<subcore_parallel>], iteration_bounds = array<i64: 2, 16>, scalar_prefetch = 0 : i64, scratch_operands = 5 : i64, tpu.core_type = #tpu.core_type<sc_vector_subcore>, window_params = [{transform_indices = #map}, {transform_indices = #map1}, {transform_indices = #map1}, {transform_indices = #map}, {transform_indices = #map1}]} {
    %mul3A = arith.constant 2 : i32
    %mul3A_0 = arith.muli %arg1, %mul3A : i32
    %add3A = arith.addi %mul3A_0, %arg0 : i32
    %mul3A_1 = arith.constant 640 : i32
    %mul3A_2 = arith.muli %arg1, %mul3A_1 : i32
    %mul3A_3 = arith.constant 640 : i32
    %mul3A_4 = arith.muli %arg1, %mul3A_3 : i32
    "tpu.region"() ({
      %run_scoped3A = tpu.sem_alloc : memref<!tpu.dma_semaphore, #tpu.memory_space<semaphore_mem>>
      %dma_start3A = arith.constant 0 : i32
      %dma_start3A_15 = tpu.memref_slice %arg10[%mul3A_4, %dma_start3A] : memref<10240x128xf32, #tpu.memory_space<vmem_shared>> -> memref<640x128xf32, #tpu.memory_space<vmem_shared>>
      %dma_start3A_16 = arith.constant 0 : i32
      %dma_start3A_17 = tpu.memref_slice %arg5[%mul3A_2, %dma_start3A_16] : memref<10240x128xf32, #tpu.memory_space<hbm>> -> memref<640x128xf32, #tpu.memory_space<hbm>>
      tpu.enqueue_dma source(%dma_start3A_17 : memref<640x128xf32, #tpu.memory_space<hbm>>) target(%dma_start3A_15 : memref<640x128xf32, #tpu.memory_space<vmem_shared>>) target_semaphore(%run_scoped3A : memref<!tpu.dma_semaphore, #tpu.memory_space<semaphore_mem>>)
      %dma_wait3A = arith.constant 0 : i32
      %dma_wait3A_18 = tpu.memref_slice %arg10[%mul3A_4, %dma_wait3A] : memref<10240x128xf32, #tpu.memory_space<vmem_shared>> -> memref<640x128xf32, #tpu.memory_space<vmem_shared>>
      %dma_wait3A_19 = arith.constant 0 : i32
      %dma_wait3A_20 = tpu.memref_slice %arg5[%mul3A_2, %dma_wait3A_19] : memref<10240x128xf32, #tpu.memory_space<hbm>> -> memref<640x128xf32, #tpu.memory_space<hbm>>
      tpu.wait_dma2 semaphore(%run_scoped3A : memref<!tpu.dma_semaphore, #tpu.memory_space<semaphore_mem>>) src(%dma_wait3A_20 : memref<640x128xf32, #tpu.memory_space<hbm>>) dst(%dma_wait3A_18 : memref<640x128xf32, #tpu.memory_space<vmem_shared>>)
      tpu.yield
    }) : () -> ()
    "tpu.region"() ({
      %run_scoped3A = tpu.sem_alloc : memref<!tpu.dma_semaphore, #tpu.memory_space<semaphore_mem>>
      %dma_start3A = arith.constant 0 : i32
      %dma_start3A_15 = arith.constant 0 : i32
      %dma_start3A_16 = tpu.memref_slice %arg3[%add3A, %dma_start3A, %dma_start3A_15] : memref<32x79x128xi32, #tpu.memory_space<hbm>> -> memref<1x79x128xi32, #tpu.memory_space<hbm>>
      %dma_start3A_17 = tpu.memref_squeeze %dma_start3A_16 : memref<1x79x128xi32, #tpu.memory_space<hbm>> -> memref<79x128xi32, #tpu.memory_space<hbm>>
      %dma_start3A_18 = arith.constant 0 : i32
      %dma_start3A_19 = arith.constant 0 : i32
      %dma_start3A_20 = tpu.memref_slice %arg3[%add3A, %dma_start3A_18, %dma_start3A_19] : memref<32x79x128xi32, #tpu.memory_space<hbm>> -> memref<1x79x128xi32, #tpu.memory_space<hbm>>
      %dma_start3A_21 = tpu.memref_squeeze %dma_start3A_20 : memref<1x79x128xi32, #tpu.memory_space<hbm>> -> memref<79x128xi32, #tpu.memory_space<hbm>>
      tpu.enqueue_dma source(%dma_start3A_21 : memref<79x128xi32, #tpu.memory_space<hbm>>) target(%arg7 : memref<79x128xi32, #tpu.memory_space<vmem>>) target_semaphore(%run_scoped3A : memref<!tpu.dma_semaphore, #tpu.memory_space<semaphore_mem>>)
      %dma_wait3A = arith.constant 0 : i32
      %dma_wait3A_22 = arith.constant 0 : i32
      %dma_wait3A_23 = tpu.memref_slice %arg3[%add3A, %dma_wait3A, %dma_wait3A_22] : memref<32x79x128xi32, #tpu.memory_space<hbm>> -> memref<1x79x128xi32, #tpu.memory_space<hbm>>
      %dma_wait3A_24 = tpu.memref_squeeze %dma_wait3A_23 : memref<1x79x128xi32, #tpu.memory_space<hbm>> -> memref<79x128xi32, #tpu.memory_space<hbm>>
      %dma_wait3A_25 = arith.constant 0 : i32
      %dma_wait3A_26 = arith.constant 0 : i32
      %dma_wait3A_27 = tpu.memref_slice %arg3[%add3A, %dma_wait3A_25, %dma_wait3A_26] : memref<32x79x128xi32, #tpu.memory_space<hbm>> -> memref<1x79x128xi32, #tpu.memory_space<hbm>>
      %dma_wait3A_28 = tpu.memref_squeeze %dma_wait3A_27 : memref<1x79x128xi32, #tpu.memory_space<hbm>> -> memref<79x128xi32, #tpu.memory_space<hbm>>
      tpu.wait_dma2 semaphore(%run_scoped3A : memref<!tpu.dma_semaphore, #tpu.memory_space<semaphore_mem>>) src(%dma_wait3A_28 : memref<79x128xi32, #tpu.memory_space<hbm>>) dst(%arg7 : memref<79x128xi32, #tpu.memory_space<vmem>>)
      tpu.yield
    }) : () -> ()
    "tpu.region"() ({
      %run_scoped3A = tpu.sem_alloc : memref<!tpu.dma_semaphore, #tpu.memory_space<semaphore_mem>>
      %dma_start3A = arith.constant 0 : i32
      %dma_start3A_15 = arith.constant 0 : i32
      %dma_start3A_16 = tpu.memref_slice %arg4[%add3A, %dma_start3A, %dma_start3A_15] : memref<32x79x128xi32, #tpu.memory_space<hbm>> -> memref<1x79x128xi32, #tpu.memory_space<hbm>>
      %dma_start3A_17 = tpu.memref_squeeze %dma_start3A_16 : memref<1x79x128xi32, #tpu.memory_space<hbm>> -> memref<79x128xi32, #tpu.memory_space<hbm>>
      %dma_start3A_18 = arith.constant 0 : i32
      %dma_start3A_19 = arith.constant 0 : i32
      %dma_start3A_20 = tpu.memref_slice %arg4[%add3A, %dma_start3A_18, %dma_start3A_19] : memref<32x79x128xi32, #tpu.memory_space<hbm>> -> memref<1x79x128xi32, #tpu.memory_space<hbm>>
      %dma_start3A_21 = tpu.memref_squeeze %dma_start3A_20 : memref<1x79x128xi32, #tpu.memory_space<hbm>> -> memref<79x128xi32, #tpu.memory_space<hbm>>
      tpu.enqueue_dma source(%dma_start3A_21 : memref<79x128xi32, #tpu.memory_space<hbm>>) target(%arg8 : memref<79x128xi32, #tpu.memory_space<vmem>>) target_semaphore(%run_scoped3A : memref<!tpu.dma_semaphore, #tpu.memory_space<semaphore_mem>>)
      %dma_wait3A = arith.constant 0 : i32
      %dma_wait3A_22 = arith.constant 0 : i32
      %dma_wait3A_23 = tpu.memref_slice %arg4[%add3A, %dma_wait3A, %dma_wait3A_22] : memref<32x79x128xi32, #tpu.memory_space<hbm>> -> memref<1x79x128xi32, #tpu.memory_space<hbm>>
      %dma_wait3A_24 = tpu.memref_squeeze %dma_wait3A_23 : memref<1x79x128xi32, #tpu.memory_space<hbm>> -> memref<79x128xi32, #tpu.memory_space<hbm>>
      %dma_wait3A_25 = arith.constant 0 : i32
      %dma_wait3A_26 = arith.constant 0 : i32
      %dma_wait3A_27 = tpu.memref_slice %arg4[%add3A, %dma_wait3A_25, %dma_wait3A_26] : memref<32x79x128xi32, #tpu.memory_space<hbm>> -> memref<1x79x128xi32, #tpu.memory_space<hbm>>
      %dma_wait3A_28 = tpu.memref_squeeze %dma_wait3A_27 : memref<1x79x128xi32, #tpu.memory_space<hbm>> -> memref<79x128xi32, #tpu.memory_space<hbm>>
      tpu.wait_dma2 semaphore(%run_scoped3A : memref<!tpu.dma_semaphore, #tpu.memory_space<semaphore_mem>>) src(%dma_wait3A_28 : memref<79x128xi32, #tpu.memory_space<hbm>>) dst(%arg8 : memref<79x128xi32, #tpu.memory_space<vmem>>)
      tpu.yield
    }) : () -> ()
    %barrier3A = arith.constant 0 : index
    tpu.barrier barrier_id(%barrier3A)
    %scan3A = arith.constant 0 : i32
    %scan3A_5 = arith.constant 0 : i32
    %scan3A_6 = arith.constant 79 : i32
    %scan3A_7 = arith.addi %scan3A_5, %scan3A_6 : i32
    %scan3A_8 = arith.constant 1 : i32
    scf.for %scan3A_15 = %scan3A_5 to %scan3A_7 step %scan3A_8  : i32 {
      %dma_start3A = arith.constant 0 : i32
      %dma_start3A_16 = tpu.memref_slice %arg7[%scan3A_15, %dma_start3A] : memref<79x128xi32, #tpu.memory_space<vmem>> -> memref<1x128xi32, #tpu.memory_space<vmem>>
      %dma_start3A_17 = tpu.memref_squeeze %dma_start3A_16 : memref<1x128xi32, #tpu.memory_space<vmem>> -> memref<128xi32, #tpu.memory_space<vmem>>
      %dma_start3A_18 = arith.constant 0 : i32
      %dma_start3A_19 = arith.constant 0 : i32
      %dma_start3A_20 = tpu.memref_slice %arg2[%dma_start3A_18, %dma_start3A_19] : memref<10240x128xf32, #tpu.memory_space<hbm>> -> memref<10240x128xf32, #tpu.memory_space<hbm>>
      tpu.enqueue_indirect_dma source(%dma_start3A_20 : memref<10240x128xf32, #tpu.memory_space<hbm>>) target(%arg9 : memref<128x128xf32, #tpu.memory_space<vmem>>) offsets(%dma_start3A_17 : memref<128xi32, #tpu.memory_space<vmem>>) semaphore(%arg11 : memref<!tpu.dma_semaphore, #tpu.memory_space<semaphore_mem>>)
      %dma_wait3A = arith.constant 0 : i32
      %dma_wait3A_21 = tpu.memref_slice %arg7[%scan3A_15, %dma_wait3A] : memref<79x128xi32, #tpu.memory_space<vmem>> -> memref<1x128xi32, #tpu.memory_space<vmem>>
      %dma_wait3A_22 = tpu.memref_squeeze %dma_wait3A_21 : memref<1x128xi32, #tpu.memory_space<vmem>> -> memref<128xi32, #tpu.memory_space<vmem>>
      %dma_wait3A_23 = arith.constant 0 : i32
      %dma_wait3A_24 = arith.constant 0 : i32
      %dma_wait3A_25 = tpu.memref_slice %arg2[%dma_wait3A_23, %dma_wait3A_24] : memref<10240x128xf32, #tpu.memory_space<hbm>> -> memref<10240x128xf32, #tpu.memory_space<hbm>>
      tpu.wait_indirect_dma semaphore(%arg11 : memref<!tpu.dma_semaphore, #tpu.memory_space<semaphore_mem>>) src(%dma_wait3A_25 : memref<10240x128xf32, #tpu.memory_space<hbm>>) dst(%arg9 : memref<128x128xf32, #tpu.memory_space<vmem>>)
      "tpu.region"() ({
        %run_scoped3A = tpu.sem_alloc : memref<!tpu.dma_semaphore, #tpu.memory_space<semaphore_mem>>
        %dma_start3A_26 = arith.constant 0 : i32
        %dma_start3A_27 = tpu.memref_slice %arg8[%scan3A_15, %dma_start3A_26] : memref<79x128xi32, #tpu.memory_space<vmem>> -> memref<1x128xi32, #tpu.memory_space<vmem>>
        %dma_start3A_28 = tpu.memref_squeeze %dma_start3A_27 : memref<1x128xi32, #tpu.memory_space<vmem>> -> memref<128xi32, #tpu.memory_space<vmem>>
        %dma_start3A_29 = arith.constant 0 : i32
        %dma_start3A_30 = arith.constant 0 : i32
        %dma_start3A_31 = tpu.memref_slice %arg10[%dma_start3A_29, %dma_start3A_30] : memref<10240x128xf32, #tpu.memory_space<vmem_shared>> -> memref<10240x128xf32, #tpu.memory_space<vmem_shared>>
        tpu.enqueue_indirect_dma source(%arg9 : memref<128x128xf32, #tpu.memory_space<vmem>>) target(%dma_start3A_31 : memref<10240x128xf32, #tpu.memory_space<vmem_shared>>) offsets(%dma_start3A_28 : memref<128xi32, #tpu.memory_space<vmem>>) semaphore(%run_scoped3A : memref<!tpu.dma_semaphore, #tpu.memory_space<semaphore_mem>>) {add = true}
        %dma_wait3A_32 = arith.constant 0 : i32
        %dma_wait3A_33 = tpu.memref_slice %arg8[%scan3A_15, %dma_wait3A_32] : memref<79x128xi32, #tpu.memory_space<vmem>> -> memref<1x128xi32, #tpu.memory_space<vmem>>
        %dma_wait3A_34 = tpu.memref_squeeze %dma_wait3A_33 : memref<1x128xi32, #tpu.memory_space<vmem>> -> memref<128xi32, #tpu.memory_space<vmem>>
        %dma_wait3A_35 = arith.constant 0 : i32
        %dma_wait3A_36 = arith.constant 0 : i32
        %dma_wait3A_37 = tpu.memref_slice %arg10[%dma_wait3A_35, %dma_wait3A_36] : memref<10240x128xf32, #tpu.memory_space<vmem_shared>> -> memref<10240x128xf32, #tpu.memory_space<vmem_shared>>
        tpu.wait_indirect_dma semaphore(%run_scoped3A : memref<!tpu.dma_semaphore, #tpu.memory_space<semaphore_mem>>) src(%arg9 : memref<128x128xf32, #tpu.memory_space<vmem>>) dst(%dma_wait3A_37 : memref<10240x128xf32, #tpu.memory_space<vmem_shared>>)
        tpu.yield
      }) : () -> ()
    }
    %scan3A_9 = arith.constant 79 : i32
    %barrier3A_10 = arith.constant 0 : index
    tpu.barrier barrier_id(%barrier3A_10)
    %mul3A_11 = arith.constant 640 : i32
    %mul3A_12 = arith.muli %arg1, %mul3A_11 : i32
    %mul3A_13 = arith.constant 640 : i32
    %mul3A_14 = arith.muli %arg1, %mul3A_13 : i32
    "tpu.region"() ({
      %run_scoped3A = tpu.sem_alloc : memref<!tpu.dma_semaphore, #tpu.memory_space<semaphore_mem>>
      %dma_start3A = arith.constant 0 : i32
      %dma_start3A_15 = arith.constant 0 : i32
      %dma_start3A_16 = tpu.memref_slice %arg6[%arg0, %dma_start3A, %dma_start3A_15] : memref<2x10240x128xf32, #tpu.memory_space<hbm>> -> memref<1x10240x128xf32, #tpu.memory_space<hbm>>
      %dma_start3A_17 = tpu.memref_squeeze %dma_start3A_16 : memref<1x10240x128xf32, #tpu.memory_space<hbm>> -> memref<10240x128xf32, #tpu.memory_space<hbm>>
      %dma_start3A_18 = arith.constant 0 : i32
      %dma_start3A_19 = tpu.memref_slice %dma_start3A_17[%mul3A_14, %dma_start3A_18] : memref<10240x128xf32, #tpu.memory_space<hbm>> -> memref<640x128xf32, #tpu.memory_space<hbm>>
      %dma_start3A_20 = arith.constant 0 : i32
      %dma_start3A_21 = tpu.memref_slice %arg10[%mul3A_12, %dma_start3A_20] : memref<10240x128xf32, #tpu.memory_space<vmem_shared>> -> memref<640x128xf32, #tpu.memory_space<vmem_shared>>
      tpu.enqueue_dma source(%dma_start3A_21 : memref<640x128xf32, #tpu.memory_space<vmem_shared>>) target(%dma_start3A_19 : memref<640x128xf32, #tpu.memory_space<hbm>>) target_semaphore(%run_scoped3A : memref<!tpu.dma_semaphore, #tpu.memory_space<semaphore_mem>>)
      %dma_wait3A = arith.constant 0 : i32
      %dma_wait3A_22 = arith.constant 0 : i32
      %dma_wait3A_23 = tpu.memref_slice %arg6[%arg0, %dma_wait3A, %dma_wait3A_22] : memref<2x10240x128xf32, #tpu.memory_space<hbm>> -> memref<1x10240x128xf32, #tpu.memory_space<hbm>>
      %dma_wait3A_24 = tpu.memref_squeeze %dma_wait3A_23 : memref<1x10240x128xf32, #tpu.memory_space<hbm>> -> memref<10240x128xf32, #tpu.memory_space<hbm>>
      %dma_wait3A_25 = arith.constant 0 : i32
      %dma_wait3A_26 = tpu.memref_slice %dma_wait3A_24[%mul3A_14, %dma_wait3A_25] : memref<10240x128xf32, #tpu.memory_space<hbm>> -> memref<640x128xf32, #tpu.memory_space<hbm>>
      %dma_wait3A_27 = arith.constant 0 : i32
      %dma_wait3A_28 = tpu.memref_slice %arg10[%mul3A_12, %dma_wait3A_27] : memref<10240x128xf32, #tpu.memory_space<vmem_shared>> -> memref<640x128xf32, #tpu.memory_space<vmem_shared>>
      tpu.wait_dma2 semaphore(%run_scoped3A : memref<!tpu.dma_semaphore, #tpu.memory_space<semaphore_mem>>) src(%dma_wait3A_28 : memref<640x128xf32, #tpu.memory_space<vmem_shared>>) dst(%dma_wait3A_26 : memref<640x128xf32, #tpu.memory_space<hbm>>)
      tpu.yield
    }) : () -> ()
    return
  }
}

module attributes {stable_mosaic.version = 14 : i64} {
  func.func @_layer_body(%arg0: i32, %arg1: memref<1024x128xf32, #tpu.memory_space<vmem>>, %arg2: memref<1024x128xf32, #tpu.memory_space<vmem>>, %arg3: memref<1024x128xf32, #tpu.memory_space<vmem>>, %arg4: memref<128x128xf32, #tpu.memory_space<vmem>>, %arg5: memref<1x128xf32, #tpu.memory_space<vmem>>, %arg6: memref<128x128xf32, #tpu.memory_space<vmem>>, %arg7: memref<1x128xf32, #tpu.memory_space<vmem>>, %arg8: memref<1x128xf32, #tpu.memory_space<vmem>>, %arg9: memref<1x128xf32, #tpu.memory_space<vmem>>, %arg10: memref<1024x128xf32, #tpu.memory_space<vmem>>) attributes {dimension_semantics = [#tpu.dimension_semantics<arbitrary>], iteration_bounds = array<i64: 10>, scalar_prefetch = 0 : i64, scratch_operands = 0 : i64, tpu.core_type = #tpu.core_type<tc>, window_params = [{transform_indices = @transform_0, window_bounds = array<i64: 1024, 128>}, {transform_indices = @transform_1, window_bounds = array<i64: 1024, 128>}, {transform_indices = @transform_2, window_bounds = array<i64: 1024, 128>}, {pipeline_mode = #tpu.pipeline_mode<synchronous>, transform_indices = @transform_3, window_bounds = array<i64: 128, 128>}, {pipeline_mode = #tpu.pipeline_mode<synchronous>, transform_indices = @transform_4, window_bounds = array<i64: 1, 128>}, {pipeline_mode = #tpu.pipeline_mode<synchronous>, transform_indices = @transform_5, window_bounds = array<i64: 128, 128>}, {pipeline_mode = #tpu.pipeline_mode<synchronous>, transform_indices = @transform_6, window_bounds = array<i64: 1, 128>}, {pipeline_mode = #tpu.pipeline_mode<synchronous>, transform_indices = @transform_7, window_bounds = array<i64: 1, 128>}, {pipeline_mode = #tpu.pipeline_mode<synchronous>, transform_indices = @transform_8, window_bounds = array<i64: 1, 128>}, {transform_indices = @transform_9, window_bounds = array<i64: 1024, 128>}]} {
    %get3A = arith.constant 0 : index
    %get3A_0 = arith.constant 0 : index
    %get3A_1 = vector.load %arg1[%get3A, %get3A_0] : memref<1024x128xf32, #tpu.memory_space<vmem>>, vector<1024x128xf32>
    %get3A_2 = arith.constant 0 : index
    %get3A_3 = arith.constant 0 : index
    %get3A_4 = vector.load %arg2[%get3A_2, %get3A_3] : memref<1024x128xf32, #tpu.memory_space<vmem>>, vector<1024x128xf32>
    %add3A = arith.addf %get3A_1, %get3A_4 : vector<1024x128xf32>
    %get3A_5 = arith.constant 0 : index
    %get3A_6 = arith.constant 0 : index
    %get3A_7 = vector.load %arg3[%get3A_5, %get3A_6] : memref<1024x128xf32, #tpu.memory_space<vmem>>, vector<1024x128xf32>
    %add3A_8 = arith.addf %add3A, %get3A_7 : vector<1024x128xf32>
    %get3A_9 = arith.constant 0 : index
    %get3A_10 = arith.constant 0 : index
    %get3A_11 = vector.load %arg4[%get3A_9, %get3A_10] : memref<128x128xf32, #tpu.memory_space<vmem>>, vector<128x128xf32>
    %dot_general3A = arith.constant dense<0.000000e+00> : vector<1024x128xf32>
    %dot_general3A_12 = tpu.matmul %add3A_8, %get3A_11, %dot_general3A {dimension_numbers = #tpu.dot_dimension_numbers<[1], [0], [0], [1], [0, 0, 1, 1], [], []>, transpose_lhs_hint = false} : vector<1024x128xf32>, vector<128x128xf32>, vector<1024x128xf32> -> vector<1024x128xf32>
    %get3A_13 = arith.constant 0 : index
    %get3A_14 = arith.constant 0 : index
    %get3A_15 = vector.load %arg5[%get3A_13, %get3A_14] : memref<1x128xf32, #tpu.memory_space<vmem>>, vector<1x128xf32>
    %add3A_16 = vector.broadcast %get3A_15 : vector<1x128xf32> to vector<1024x128xf32>
    %add3A_17 = arith.addf %dot_general3A_12, %add3A_16 : vector<1024x128xf32>
    %max3A = arith.constant 0.000000e+00 : f32
    %max3A_18 = vector.broadcast %max3A : f32 to vector<1024x128xf32>
    %max3A_19 = arith.maximumf %add3A_17, %max3A_18 : vector<1024x128xf32>
    %get3A_20 = arith.constant 0 : index
    %get3A_21 = arith.constant 0 : index
    %get3A_22 = vector.load %arg6[%get3A_20, %get3A_21] : memref<128x128xf32, #tpu.memory_space<vmem>>, vector<128x128xf32>
    %dot_general3A_23 = arith.constant dense<0.000000e+00> : vector<1024x128xf32>
    %dot_general3A_24 = tpu.matmul %max3A_19, %get3A_22, %dot_general3A_23 {dimension_numbers = #tpu.dot_dimension_numbers<[1], [0], [0], [1], [0, 0, 1, 1], [], []>, transpose_lhs_hint = false} : vector<1024x128xf32>, vector<128x128xf32>, vector<1024x128xf32> -> vector<1024x128xf32>
    %get3A_25 = arith.constant 0 : index
    %get3A_26 = arith.constant 0 : index
    %get3A_27 = vector.load %arg7[%get3A_25, %get3A_26] : memref<1x128xf32, #tpu.memory_space<vmem>>, vector<1x128xf32>
    %add3A_28 = vector.broadcast %get3A_27 : vector<1x128xf32> to vector<1024x128xf32>
    %add3A_29 = arith.addf %dot_general3A_24, %add3A_28 : vector<1024x128xf32>
    %max3A_30 = arith.constant 0.000000e+00 : f32
    %max3A_31 = vector.broadcast %max3A_30 : f32 to vector<1024x128xf32>
    %max3A_32 = arith.maximumf %add3A_29, %max3A_31 : vector<1024x128xf32>
    %get3A_33 = arith.constant 0 : index
    %get3A_34 = arith.constant 0 : index
    %get3A_35 = vector.load %arg8[%get3A_33, %get3A_34] : memref<1x128xf32, #tpu.memory_space<vmem>>, vector<1x128xf32>
    %mul3A = vector.broadcast %get3A_35 : vector<1x128xf32> to vector<1024x128xf32>
    %mul3A_36 = arith.mulf %max3A_32, %mul3A : vector<1024x128xf32>
    %get3A_37 = arith.constant 0 : index
    %get3A_38 = arith.constant 0 : index
    %get3A_39 = vector.load %arg9[%get3A_37, %get3A_38] : memref<1x128xf32, #tpu.memory_space<vmem>>, vector<1x128xf32>
    %add3A_40 = vector.broadcast %get3A_39 : vector<1x128xf32> to vector<1024x128xf32>
    %add3A_41 = arith.addf %mul3A_36, %add3A_40 : vector<1024x128xf32>
    %swap3A = arith.constant 0 : index
    %swap3A_42 = arith.constant 0 : index
    %swap3A_43 = vector.load %arg10[%swap3A, %swap3A_42] : memref<1024x128xf32, #tpu.memory_space<vmem>>, vector<1024x128xf32>
    tpu.vector_store %arg10[%swap3A, %swap3A_42], %add3A_41 {strides = array<i32>} : memref<1024x128xf32, #tpu.memory_space<vmem>>, vector<1024x128xf32>,
    return
  }
  func.func @transform_0(%arg0: i32) -> (i32, i32) {
    %c0_i32 = arith.constant 0 : i32
    %c0_i32_0 = arith.constant 0 : i32
    return %arg0, %c0_i32 : i32, i32
  }
  func.func @transform_1(%arg0: i32) -> (i32, i32) {
    %c0_i32 = arith.constant 0 : i32
    %c0_i32_0 = arith.constant 0 : i32
    return %arg0, %c0_i32 : i32, i32
  }
  func.func @transform_2(%arg0: i32) -> (i32, i32) {
    %c0_i32 = arith.constant 0 : i32
    %c0_i32_0 = arith.constant 0 : i32
    return %arg0, %c0_i32 : i32, i32
  }
  func.func @transform_3(%arg0: i32) -> (i32, i32) {
    %c0_i32 = arith.constant 0 : i32
    %c0_i32_0 = arith.constant 0 : i32
    %c0_i32_1 = arith.constant 0 : i32
    return %c0_i32, %c0_i32_0 : i32, i32
  }
  func.func @transform_4(%arg0: i32) -> (i32, i32) {
    %c0_i32 = arith.constant 0 : i32
    %c0_i32_0 = arith.constant 0 : i32
    %c0_i32_1 = arith.constant 0 : i32
    return %c0_i32, %c0_i32_0 : i32, i32
  }
  func.func @transform_5(%arg0: i32) -> (i32, i32) {
    %c0_i32 = arith.constant 0 : i32
    %c0_i32_0 = arith.constant 0 : i32
    %c0_i32_1 = arith.constant 0 : i32
    return %c0_i32, %c0_i32_0 : i32, i32
  }
  func.func @transform_6(%arg0: i32) -> (i32, i32) {
    %c0_i32 = arith.constant 0 : i32
    %c0_i32_0 = arith.constant 0 : i32
    %c0_i32_1 = arith.constant 0 : i32
    return %c0_i32, %c0_i32_0 : i32, i32
  }
  func.func @transform_7(%arg0: i32) -> (i32, i32) {
    %c0_i32 = arith.constant 0 : i32
    %c0_i32_0 = arith.constant 0 : i32
    %c0_i32_1 = arith.constant 0 : i32
    return %c0_i32, %c0_i32_0 : i32, i32
  }
  func.func @transform_8(%arg0: i32) -> (i32, i32) {
    %c0_i32 = arith.constant 0 : i32
    %c0_i32_0 = arith.constant 0 : i32
    %c0_i32_1 = arith.constant 0 : i32
    return %c0_i32, %c0_i32_0 : i32, i32
  }
  func.func @transform_9(%arg0: i32) -> (i32, i32) {
    %c0_i32 = arith.constant 0 : i32
    %c0_i32_0 = arith.constant 0 : i32
    return %arg0, %c0_i32 : i32, i32
  }
}

module attributes {stable_mosaic.version = 14 : i64} {
  func.func @_pool_body(%arg0: i32, %arg1: memref<1024x128xf32, #tpu.memory_space<vmem>>, %arg2: memref<1x1x1024xi32, #tpu.memory_space<vmem>>, %arg3: memref<128x128xf32, #tpu.memory_space<vmem>>, %arg4: memref<1x128xf32, #tpu.memory_space<vmem>>, %arg5: memref<128x41xf32, #tpu.memory_space<vmem>>, %arg6: memref<1x41xf32, #tpu.memory_space<vmem>>, %arg7: memref<64x41xf32, #tpu.memory_space<vmem>>, %arg8: memref<64x128xf32, #tpu.memory_space<vmem>>) attributes {dimension_semantics = [#tpu.dimension_semantics<arbitrary>], iteration_bounds = array<i64: 10>, scalar_prefetch = 0 : i64, scratch_operands = 1 : i64, tpu.core_type = #tpu.core_type<tc>, window_params = [{transform_indices = @transform_0, window_bounds = array<i64: 1024, 128>}, {transform_indices = @transform_1, window_bounds = array<i64: 1, 1, 1024>}, {pipeline_mode = #tpu.pipeline_mode<synchronous>, transform_indices = @transform_2, window_bounds = array<i64: 128, 128>}, {pipeline_mode = #tpu.pipeline_mode<synchronous>, transform_indices = @transform_3, window_bounds = array<i64: 1, 128>}, {pipeline_mode = #tpu.pipeline_mode<synchronous>, transform_indices = @transform_4, window_bounds = array<i64: 128, 41>}, {pipeline_mode = #tpu.pipeline_mode<synchronous>, transform_indices = @transform_5, window_bounds = array<i64: 1, 41>}, {pipeline_mode = #tpu.pipeline_mode<synchronous>, transform_indices = @transform_6, window_bounds = array<i64: 64, 41>}]} {
    %eq3A = arith.constant 0 : i32
    %eq3A_0 = arith.cmpi eq, %arg0, %eq3A : i32
    %convert_element_type3A = arith.extui %eq3A_0 : i1 to i32
    %cond3A = arith.constant 0 : i32
    %cond3A_1 = arith.cmpi ne, %convert_element_type3A, %cond3A : i32
    scf.if %cond3A_1 {
      %broadcast_in_dim3A_24 = arith.constant 0.000000e+00 : f32
      %broadcast_in_dim3A_25 = vector.broadcast %broadcast_in_dim3A_24 : f32 to vector<64x128xf32>
      %swap3A_26 = arith.constant 0 : index
      %swap3A_27 = arith.constant 0 : index
      %swap3A_28 = vector.load %arg8[%swap3A_26, %swap3A_27] : memref<64x128xf32, #tpu.memory_space<vmem>>, vector<64x128xf32>
      tpu.vector_store %arg8[%swap3A_26, %swap3A_27], %broadcast_in_dim3A_25 {strides = array<i32>} : memref<64x128xf32, #tpu.memory_space<vmem>>, vector<64x128xf32>,
    } else {
    }
    %get3A = arith.constant 0 : index
    %get3A_2 = arith.constant 0 : index
    %get3A_3 = arith.constant 0 : index
    %get3A_4 = vector.load %arg2[%get3A, %get3A_2, %get3A_3] : memref<1x1x1024xi32, #tpu.memory_space<vmem>>, vector<1x1x1024xi32>
    %get3A_5 = vector.shape_cast %get3A_4 : vector<1x1x1024xi32> to vector<1024xi32>
    %iota3A = tpu.iota {dimensions = array<i32: 0>} : vector<64x1024xi32>
    %broadcast_in_dim3A = vector.shape_cast %get3A_5 : vector<1024xi32> to vector<1x1024xi32>
    %eq3A_6 = vector.broadcast %broadcast_in_dim3A : vector<1x1024xi32> to vector<64x1024xi32>
    %eq3A_7 = arith.cmpi eq, %iota3A, %eq3A_6 : vector<64x1024xi32>
    %convert_element_type3A_8 = arith.extui %eq3A_7 : vector<64x1024xi1> to vector<64x1024xi32>
    %convert_element_type3A_9 = arith.sitofp %convert_element_type3A_8 : vector<64x1024xi32> to vector<64x1024xf32>
    %get3A_10 = arith.constant 0 : index
    %get3A_11 = arith.constant 0 : index
    %get3A_12 = vector.load %arg8[%get3A_10, %get3A_11] : memref<64x128xf32, #tpu.memory_space<vmem>>, vector<64x128xf32>
    %get3A_13 = arith.constant 0 : index
    %get3A_14 = arith.constant 0 : index
    %get3A_15 = vector.load %arg1[%get3A_13, %get3A_14] : memref<1024x128xf32, #tpu.memory_space<vmem>>, vector<1024x128xf32>
    %dot_general3A = arith.constant dense<0.000000e+00> : vector<64x128xf32>
    %dot_general3A_16 = tpu.matmul %convert_element_type3A_9, %get3A_15, %dot_general3A {dimension_numbers = #tpu.dot_dimension_numbers<[1], [0], [0], [1], [0, 0, 1, 1], [], []>, transpose_lhs_hint = false} : vector<64x1024xf32>, vector<1024x128xf32>, vector<64x128xf32> -> vector<64x128xf32>
    %add3A = arith.addf %get3A_12, %dot_general3A_16 : vector<64x128xf32>
    %swap3A = arith.constant 0 : index
    %swap3A_17 = arith.constant 0 : index
    %swap3A_18 = vector.load %arg8[%swap3A, %swap3A_17] : memref<64x128xf32, #tpu.memory_space<vmem>>, vector<64x128xf32>
    tpu.vector_store %arg8[%swap3A, %swap3A_17], %add3A {strides = array<i32>} : memref<64x128xf32, #tpu.memory_space<vmem>>, vector<64x128xf32>,
    %eq3A_19 = arith.constant 9 : i32
    %eq3A_20 = arith.cmpi eq, %arg0, %eq3A_19 : i32
    %convert_element_type3A_21 = arith.extui %eq3A_20 : i1 to i32
    %cond3A_22 = arith.constant 0 : i32
    %cond3A_23 = arith.cmpi ne, %convert_element_type3A_21, %cond3A_22 : i32
    scf.if %cond3A_23 {
      %get3A_24 = arith.constant 0 : index
      %get3A_25 = arith.constant 0 : index
      %get3A_26 = vector.load %arg8[%get3A_24, %get3A_25] : memref<64x128xf32, #tpu.memory_space<vmem>>, vector<64x128xf32>
      %get3A_27 = arith.constant 0 : index
      %get3A_28 = arith.constant 0 : index
      %get3A_29 = vector.load %arg3[%get3A_27, %get3A_28] : memref<128x128xf32, #tpu.memory_space<vmem>>, vector<128x128xf32>
      %dot_general3A_30 = arith.constant dense<0.000000e+00> : vector<64x128xf32>
      %dot_general3A_31 = tpu.matmul %get3A_26, %get3A_29, %dot_general3A_30 {dimension_numbers = #tpu.dot_dimension_numbers<[1], [0], [0], [1], [0, 0, 1, 1], [], []>, transpose_lhs_hint = false} : vector<64x128xf32>, vector<128x128xf32>, vector<64x128xf32> -> vector<64x128xf32>
      %get3A_32 = arith.constant 0 : index
      %get3A_33 = arith.constant 0 : index
      %get3A_34 = vector.load %arg4[%get3A_32, %get3A_33] : memref<1x128xf32, #tpu.memory_space<vmem>>, vector<1x128xf32>
      %add3A_35 = vector.broadcast %get3A_34 : vector<1x128xf32> to vector<64x128xf32>
      %add3A_36 = arith.addf %dot_general3A_31, %add3A_35 : vector<64x128xf32>
      %max3A = arith.constant 0.000000e+00 : f32
      %max3A_37 = vector.broadcast %max3A : f32 to vector<64x128xf32>
      %max3A_38 = arith.maximumf %add3A_36, %max3A_37 : vector<64x128xf32>
      %get3A_39 = arith.constant 0 : index
      %get3A_40 = arith.constant 0 : index
      %get3A_41 = vector.load %arg5[%get3A_39, %get3A_40] : memref<128x41xf32, #tpu.memory_space<vmem>>, vector<128x41xf32>
      %dot_general3A_42 = arith.constant dense<0.000000e+00> : vector<64x41xf32>
      %dot_general3A_43 = tpu.matmul %max3A_38, %get3A_41, %dot_general3A_42 {dimension_numbers = #tpu.dot_dimension_numbers<[1], [0], [0], [1], [0, 0, 1, 1], [], []>, transpose_lhs_hint = false} : vector<64x128xf32>, vector<128x41xf32>, vector<64x41xf32> -> vector<64x41xf32>
      %get3A_44 = arith.constant 0 : index
      %get3A_45 = arith.constant 0 : index
      %get3A_46 = vector.load %arg6[%get3A_44, %get3A_45] : memref<1x41xf32, #tpu.memory_space<vmem>>, vector<1x41xf32>
      %add3A_47 = vector.broadcast %get3A_46 : vector<1x41xf32> to vector<64x41xf32>
      %add3A_48 = arith.addf %dot_general3A_43, %add3A_47 : vector<64x41xf32>
      %swap3A_49 = arith.constant 0 : index
      %swap3A_50 = arith.constant 0 : index
      %swap3A_51 = vector.load %arg7[%swap3A_49, %swap3A_50] : memref<64x41xf32, #tpu.memory_space<vmem>>, vector<64x41xf32>
      tpu.vector_store %arg7[%swap3A_49, %swap3A_50], %add3A_48 {strides = array<i32>} : memref<64x41xf32, #tpu.memory_space<vmem>>, vector<64x41xf32>,
    } else {
    }
    return
  }
  func.func @transform_0(%arg0: i32) -> (i32, i32) {
    %c0_i32 = arith.constant 0 : i32
    %c0_i32_0 = arith.constant 0 : i32
    return %arg0, %c0_i32 : i32, i32
  }
  func.func @transform_1(%arg0: i32) -> (i32, i32, i32) {
    %c0_i32 = arith.constant 0 : i32
    %c0_i32_0 = arith.constant 0 : i32
    %c0_i32_1 = arith.constant 0 : i32
    return %arg0, %c0_i32, %c0_i32_0 : i32, i32, i32
  }
  func.func @transform_2(%arg0: i32) -> (i32, i32) {
    %c0_i32 = arith.constant 0 : i32
    %c0_i32_0 = arith.constant 0 : i32
    %c0_i32_1 = arith.constant 0 : i32
    return %c0_i32, %c0_i32_0 : i32, i32
  }
  func.func @transform_3(%arg0: i32) -> (i32, i32) {
    %c0_i32 = arith.constant 0 : i32
    %c0_i32_0 = arith.constant 0 : i32
    %c0_i32_1 = arith.constant 0 : i32
    return %c0_i32, %c0_i32_0 : i32, i32
  }
  func.func @transform_4(%arg0: i32) -> (i32, i32) {
    %c0_i32 = arith.constant 0 : i32
    %c0_i32_0 = arith.constant 0 : i32
    %c0_i32_1 = arith.constant 0 : i32
    return %c0_i32, %c0_i32_0 : i32, i32
  }
  func.func @transform_5(%arg0: i32) -> (i32, i32) {
    %c0_i32 = arith.constant 0 : i32
    %c0_i32_0 = arith.constant 0 : i32
    %c0_i32_1 = arith.constant 0 : i32
    return %c0_i32, %c0_i32_0 : i32, i32
  }
  func.func @transform_6(%arg0: i32) -> (i32, i32) {
    %c0_i32 = arith.constant 0 : i32
    %c0_i32_0 = arith.constant 0 : i32
    %c0_i32_1 = arith.constant 0 : i32
    return %c0_i32, %c0_i32_0 : i32, i32
  }
}

</mosaic_0001>

<sc_bundles>
// kernel: kernel.12.cloned.1.call-start
scs
__scs_entry_jumppad:
0x0: {  	(pc) =	sbr.rel $0x88, $3  }
0x1: {  	(tag) =	ssettag $0x0;
	lr =	simm.s32 $0x1  }
0x2: {  	[smem:$0x3F89] =	sst lr;
	_ =	strace $0xD0000000  }
0x3: {  	_ = 	snop  }
0x4: {  	_ = 	snop  }
0x5: {  	_ = 	snop  }
0x6: {  	_ = 	snop  }
0x7: {  	_ = 	snop  }
__scs_overlays_trampoline_lowered:
0x8: {  	[smem:$0x3F98] =	sst s0  }
0x9: {  	[smem:$0x3F99] =	sst s1  }
0xa: {  	[smem:$0x3F9A] =	sst s2  }
0xb: {  	[smem:$0x3F9B] =	sst s3  }
0xc: {  	[smem:$0x3F9C] =	sst s4  }
0xd: {  	[smem:$0x3F9D] =	sst s5  }
0xe: {  	[smem:$0x3F9E] =	sst s6  }
0xf: {  	[smem:$0x3F9F] =	sst s7  }
0x10: {  	[smem:$0x3FA0] =	sst s8  }
0x11: {  	[smem:$0x3FA1] =	sst s9;
	s0 =	simm.s32 @!p0 $0x0  }
0x12: {  	s1 =	sld [smem:$0x3F87];
	s0 =	simm.s32 @p0 $0x1  }
0x13: {  	[smem:$0x3FA2] =	sst s0;
	s0 =	simm.s32 @!p1 $0x0  }
0x14: {  	s2 =	sld [smem:$0x3F86];
	s0 =	simm.s32 @p1 $0x1  }
0x15: {  	[smem:$0x3FA3] =	sst s0;
	s0 =	simm.s32 @!p2 $0x0  }
0x16: {  	s3 =	sld [smem:$0x3FDB];
	s0 =	simm.s32 @p2 $0x1  }
0x17: {  	s4 =	simm.s32 $0x1BF5;
	[smem:$0x3FA5] =	sst s0  }
0x18: {  	s0 =	sld [smem:$0x3F88];
	_ =	swait.ge [sflag:s4], $0x0  }
0x19: {  	s7 =	sld [smem:$0x3F89]  }
0x1a: {  	s8 =	sadd.s32 $0xFFFFE003, lr  }
0x1b: {  	s9 =	sadd.s32 $0xFFFFFEF7, lr;
	s5 =	simm.s32 $0xFFFFFFFF;
	p2 =	slt.u32 s8, $0xFFFFF086  }
0x1c: {  	p1 =	slt.u32 s9, $0xF7A;
	s5 =	simm.s32 @!p2 $0x0  }
0x1d: {  	s5 =	simm.s32 @p1 $0x1;
	p0 =	seq.s32 s7, s2  }
0x1e: {  	s7 =	smul.u32 @!p0 $0xF7A, s2;
	p2 =	seq.s32 @!p0 s5, $0x0  }
0x1f: {  	s9 =	smul.u32 $0xF7A, s1;
	s8 =	simm.s32 @!p0 $0x1BF5;
	p2 =	por !p2, p0  }
0x20: {  	[sflag:s8] =	ssyncset.s32 @!p0 $0xFFFFF086;
	s6 =	sadd.s32 @!p0 s3, s7;
	s7 =	simm.s32 @!p0 $0x108  }
0x21: {  	s3 =	sadd.s32 s3, s9;
	s6 =	sadd.s32 @!p0 $0x88, s6;
	s7 =	simm.s32 @p2 $0x1082  }
0x22: {  	[simem:s7], [sflag:s8] =	dma.local @!p0 [hbm:s6], $0xF7A  }
0x23: {  	s9 =	sor.u32 $0xD0000000, s2;
	s6 =	simm.s32 $0x108;
	_ =	swait.ge @!p0 [sflag:s8], $0x0  }
0x24: {  	s3 =	sadd.s32 $0x88, s3;
	s6 =	simm.s32 @!p1 $0x1082;
	[sflag:s4] =	ssyncset.s32 $0xFFFFF086  }
0x25: {  	[simem:s6], [sflag:s4] =	dma.local [hbm:s3], $0xF7A  }
0x26: {  	[smem:$0x3F89] =	sst s1;
	(tag) =	ssettag s2;
	_ =	strace s9  }
0x27: {  	s1 =	sld [smem:$0x3F99]  }
0x28: {  	s2 =	sld [smem:$0x3F9A]  }
0x29: {  	s4 =	sld [smem:$0x3F9C]  }
0x2a: {  	p0 =	seq.s32 s5, $0x0;
	s5 =	sld [smem:$0x3F9D]  }
0x2b: {  	s6 =	sld [smem:$0x3F9E]  }
0x2c: {  	s7 =	sld [smem:$0x3F9F]  }
0x2d: {  	s3 =	simm.s32 $0x108;
	s8 =	sld [smem:$0x3FA0]  }
0x2e: {  	s3 =	simm.s32 @!p0 $0x1082;
	s9 =	sld [smem:$0x3FA1]  }
0x2f: {  	lr =	sadd.s32 s0, s3;
	s0 =	sld [smem:$0x3F98]  }
0x30: {  	s3 =	sld [smem:$0x3F9B]  }
0x31: {  	[smem:$0x3FA4] =	sst s10  }
0x32: {  	s10 =	sld [smem:$0x3FA2];
	_ =	sdelay $0x3  }
0x33: {  	p0 =	seq.s32 s10, $0x1;
	s10 =	sld [smem:$0x3FA4];
	_ =	sdelay $0x3  }
0x34: {  	[smem:$0x3FA4] =	sst s10  }
0x35: {  	s10 =	sld [smem:$0x3FA3];
	_ =	sdelay $0x3  }
0x36: {  	p1 =	seq.s32 s10, $0x1;
	s10 =	sld [smem:$0x3FA4];
	_ =	sdelay $0x3  }
0x37: {  	[smem:$0x3FA4] =	sst s10  }
0x38: {  	s10 =	sld [smem:$0x3FA5]  }
0x39: {  	_ = 	snop;
	(pc) =	sbr.ind lr, $3  }
0x3a: {  	_ = 	snop  }
0x3b: {  	_ = 	snop  }
0x3c: {  	p2 =	seq.s32 s10, $0x1;
	s10 =	sld [smem:$0x3FA4]  }
0x3d: {  	_ =	shalt  }
0x3e: {  	_ =	shalt  }
0x3f: {  	_ =	shalt  }
0x40: {  	_ =	shalt  }
0x41: {  	_ =	shalt  }
0x42: {  	_ =	shalt  }
0x43: {  	_ =	shalt  }
0x44: {  	_ =	shalt  }
0x45: {  	_ =	shalt  }
0x46: {  	_ =	shalt  }
0x47: {  	_ =	shalt  }
0x48: {  	_ =	shalt  }
0x49: {  	_ =	shalt  }
0x4a: {  	_ =	shalt  }
0x4b: {  	_ =	shalt  }
0x4c: {  	_ =	shalt  }
0x4d: {  	_ =	shalt  }
0x4e: {  	_ =	shalt  }
0x4f: {  	_ =	shalt  }
0x50: {  	_ =	shalt  }
0x51: {  	_ =	shalt  }
0x52: {  	_ =	shalt  }
0x53: {  	_ =	shalt  }
0x54: {  	_ =	shalt  }
0x55: {  	_ =	shalt  }
0x56: {  	_ =	shalt  }
0x57: {  	_ =	shalt  }
0x58: {  	_ =	shalt  }
0x59: {  	_ =	shalt  }
0x5a: {  	_ =	shalt  }
0x5b: {  	_ =	shalt  }
0x5c: {  	_ =	shalt  }
0x5d: {  	_ =	shalt  }
0x5e: {  	_ =	shalt  }
0x5f: {  	_ =	shalt  }
0x60: {  	_ =	shalt  }
0x61: {  	_ =	shalt  }
0x62: {  	_ =	shalt  }
0x63: {  	_ =	shalt  }
0x64: {  	_ =	shalt  }
0x65: {  	_ =	shalt  }
0x66: {  	_ =	shalt  }
0x67: {  	_ =	shalt  }
0x68: {  	_ =	shalt  }
0x69: {  	_ =	shalt  }
0x6a: {  	_ =	shalt  }
0x6b: {  	_ =	shalt  }
0x6c: {  	_ =	shalt  }
0x6d: {  	_ =	shalt  }
0x6e: {  	_ =	shalt  }
0x6f: {  	_ =	shalt  }
0x70: {  	_ =	shalt  }
0x71: {  	_ =	shalt  }
0x72: {  	_ =	shalt  }
0x73: {  	_ =	shalt  }
0x74: {  	_ =	shalt  }
0x75: {  	_ =	shalt  }
0x76: {  	_ =	shalt  }
0x77: {  	_ =	shalt  }
0x78: {  	_ =	shalt  }
0x79: {  	_ =	shalt  }
0x7a: {  	_ =	shalt  }
0x7b: {  	_ =	shalt  }
0x7c: {  	_ =	shalt  }
0x7d: {  	_ =	shalt  }
0x7e: {  	_ =	shalt  }
0x7f: {  	_ =	shalt  }
0x80: {  	_ =	shalt  }
0x81: {  	_ =	shalt  }
0x82: {  	_ =	shalt  }
0x83: {  	_ =	shalt  }
0x84: {  	_ =	shalt  }
0x85: {  	_ =	shalt  }
0x86: {  	_ =	shalt  }
0x87: {  	_ =	shalt  }
.Lfunc_end0:
.L_simem_size_0:
called_computation_lowered:
.L_overlay_start_0:
0x88: {  	s2 =	sld [smem:$0x3FD9]  }
0x89: {  	s3 =	sld [smem:$0x3FFE];
	_ =	sdelay $0x1  }
0x8a: {  	s1 =	srdreg.scid  }
0x8b: {  	s0 =	sand.u32 $0x1, s1  }
0x8c: {  	s17 =	sshll.u32 s0, $0xA;
	s2 =	sadd.s32 s3, s2  }
0x8d: {  	s2 =	sadd.s32 s2, s17  }
0x8e: {  	[smem:$0x3FB0] =	sst s2  }
0x8f: {  	_ = 	snop  }
0x90: {  	s2 =	sld [smem:$0x3FC6];
	(tm) =	ssettm $0x1  }
0x91: {  	s18 =	sld [smem:$0x3FFB];
	_ =	sdelay $0x3  }
0x92: {  	_ =	strace s18  }
0x93: {  	s3 =	sld [smem:$0x3FFC];
	_ =	sdelay $0x3  }
0x94: {  	_ =	strace s3  }
0x95: {  	s3 =	sld [smem:$0x3FFD];
	_ =	sdelay $0x3  }
0x96: {  	_ =	strace s3  }
0x97: {  	_ =	strace $0x8FFFFFFF  }
0x98: {  	s19 =	sld [smem:$0x3FDB];
	_ =	sdelay $0x1  }
0x99: {  	s4 =	simm.s32 $_scs_section_size  }
0x9a: {  	s5 =	simm.s32 $_size__tile_overlayer_lowered;
	s6 =	simm.s32 $_tile_overlayer_lowered  }
0x9b: {  	s22 =	simm.s32 $0x1BFF;
	s21 =	sshll.u32 s6, $0x1;
	s3 =	sadd.s32 s4, s19  }
0x9c: {  	s7 =	simm.s32 $0x0;
	s20 =	sshll.u32 s5, $0x1;
	s5 =	sadd.s32 s21, s3  }
0x9d: {  	[timem:s7], [sflag:s22] =	dma.local [hbm:s5], s20  }
0x9e: {  	_ =	swait.ge [sflag:s22], s20  }
0x9f: {  	s4 =	ssub.s32 $0x0, s20;
	[sflag:s22] =	ssyncset.done $0x0  }
0xa0: {  	[sflag:s22] =	ssyncadd.s32 s4;
	_ =	sdelay $0x1  }
0xa1: {  	s23 =	simm.s32 $0x1B8B  }
0xa2: {  	_ =	swait.ge [sflag:s23], $0x1  }
0xa3: {  	[sflag:s23] =	ssyncset.done $0x0  }
0xa4: {  	s25 =	simm.s32 $0x1B8E;
	s24 =	sld [smem:$0x3FFE];
	[sflag:s23] =	ssyncadd.s32 $0xFFFFFFFF  }
0xa5: {  	s26 =	simm.s32 $execute0_lowered;
	[smem:$0x3FD2] =	sst s25  }
0xa6: {  	s5 =	sshll.u32 s26, $0x1;
	_ =	strace $0x80000046;
	[dreg:$0x1] =	wrdreg $0xFFFFFFFF  }
0xa7: {  	s28 =	simm.s32 $_size_execute0_lowered;
	s3 =	sadd.s32 s3, s5;
	[dreg:$0x0] =	wrdreg $0x0  }
0xa8: {  	s5 =	sshll.u32 s28, $0x1;
	[dreg:$0x2] =	wrdreg s3  }
0xa9: {  	[dreg:$0x3] =	wrdreg s5  }
0xaa: {  	[dreg:$0x4] =	wrdreg $0xC0  }
0xab: {  	_ =	task [dreg:s7], $0x5FFFF  }
0xac: {  	[dreg:$0x1] =	wrdreg $0xFFFFFFFF  }
0xad: {  	[dreg:$0x0] =	wrdreg $0x60  }
0xae: {  	[dreg:$0x2] =	wrdreg s24  }
0xaf: {  	[dreg:$0x3] =	wrdreg s2  }
0xb0: {  	[dreg:$0x4] =	wrdreg $0x9  }
0xb1: {  	_ =	task.clear_ibuf [dreg:s7], $0x5FFFF;
	_ =	strace $0x90000046  }
0xb2: {  	s29 =	simm.s32 $0x9;
	_ =	strace $0x80000048  }
0xb3: {  	_ =	swait.ge [sflag:s29], $0x1  }
0xb4: {  	[sflag:s29] =	ssyncadd.s32 $0xFFFFFFFF  }
0xb5: {  	_ =	strace $0x90000048  }
0xb6: {  	_ =	sfence  }
0xb7: {  	s30 =	sld [smem:$0x0];
	_ =	sdelay $0x2  }
0xb8: {  	s31 =	sshll.u32 s1, $0xD;
	s1 =	sshrl.u32 s1, $0x2  }
0xb9: {  	s3 =	sand.u32 $0x4000, s31;
	s1 =	sadd.s32 s1, s30  }
0xba: {  	s0 =	sor.u32 s3, s0;
	s1 =	sshll.u32 s1, $0x11  }
0xbb: {  	s0 =	sor.u32 s1, s0  }
0xbc: {  	s0 =	sadd.s32 $0x8F2B, s0  }
0xbd: {  	[sflag:s0] =	ssyncadd.remote.s32 $0x1  }
0xbe: {  	_ =	sfence.sel $0xFFFF  }
0xbf: {  	[dreg:$0x0] =	wrdreg $0xFFFFFFFF;
	(pc) =	sbr.abs _section_cstart, $3  }
0xc0: {  	[dreg:$0x1] =	wrdreg $0xFFFFFFFF  }
0xc1: {  	_ =	task.clear_ibuf [dreg:s7], $0x2FFFF;
	_ =	strace $0x9FFFFFFF  }
0xc2: {  	(tm) =	ssettm $0x7FFFFFFF  }
0xc3: {  	_ =	shalt  }
tec
execute0_lowered:
.L_overlay_start_1:
0x0: {  	(tag) =	ssettag $0x1  }
0x1: {  	s1 =	srdreg.scid;
	s0 =	stileid.u32  }
0x2: {  	s17 =	rddreg [dreg:$0x0];
	s15 =	sand.u32 $0x1, s1;
	s30 =	sshll.u32 s0, $0x1  }
0x3: {  	s2 =	rddreg [dreg:$0x1];
	s16 =	sor.u32 s15, s30  }
0x4: {  	s3 =	simm.s32 $0x0;
	s1 =	rddreg [dreg:$0x2];
	s4 =	sshll.u32 s16, $0x7  }
0x5: {  	[smem:$0x7FF] =	sst s3;
	s4 =	sadd.s32 s4, s17  }
0x6: {  	_ =	strace $0x80000047;
	s5 =	sadd.s32 $0x6600, s4;
	s4 =	simm.s32 $0x2  }
0x7: {  	[tilespmem:s3], [sflag:$0x2] =	stream.linear.gather [hbm4b:s5+s3], $0x280, $0x38;
	[tilespmem:$0xA400] =	vst v63  }
0x8: {  	_ =	swait.ge [sflag:s4], $0x280  }
0x9: {  	s6 =	simm.s32 $0x40;
	[sflag:s4] =	ssyncset.done $0x0  }
0xa: {  	s7 =	simm.s32 $0x400;
	s8 =	simm.s32 $0x1;
	[sflag:s4] =	ssyncadd.s32 $0xFFFFFD80  }
0xb: {  	[tilespmem:s7], [sflag:$0x1] =	stream.indirect.gather [hbm4b:s2+s6], $0x80, s3, s6, $0xb8;
	[tilespmem:$0xA400] =	vst v63  }
0xc: {  	_ =	swait.ge [sflag:s8], $0x2000  }
0xd: {  	[sflag:s8] =	ssyncset.done $0x0  }
0xe: {  	s9 =	simm.s32 $0x80;
	s10 =	simm.s32 $0x2400;
	[sflag:s8] =	ssyncadd.s32 $0xFFFFE000  }
0xf: {  	[tilespmem:s10], [sflag:$0x1] =	stream.indirect.gather [hbm4b:s2+s6], $0x80, s9, s6, $0xb8;
	[tilespmem:$0xA400] =	vst v63  }
0x10: {  	_ =	swait.ge [sflag:s8], $0x2000  }
0x11: {  	[sflag:s8] =	ssyncset.done $0x0  }
0x12: {  	s11 =	simm.s32 $0x100;
	s12 =	simm.s32 $0x4400;
	[sflag:s8] =	ssyncadd.s32 $0xFFFFE000  }
0x13: {  	[tilespmem:s12], [sflag:$0x1] =	stream.indirect.gather [hbm4b:s2+s6], $0x80, s11, s6, $0xb8;
	[tilespmem:$0xA400] =	vst v63  }
0x14: {  	_ =	swait.ge [sflag:s8], $0x2000  }
0x15: {  	s13 =	simm.s32 $0x180;
	s14 =	simm.s32 $0x6400;
	[sflag:s8] =	ssyncset.done $0x0  }
0x16: {  	s19 =	ssub.s32 $0x2, s15;
	s15 =	simm.s32 $0x200;
	[sflag:s8] =	ssyncadd.s32 $0xFFFFE000  }
0x17: {  	[tilespmem:s14], [sflag:$0x1] =	stream.indirect.gather [hbm4b:s2+s6], $0x80, s13, s6, $0xb8;
	[tilespmem:$0xA400] =	vst v63  }
0x18: {  	s18 =	smul.u32 $0x1400, s16;
	s20 =	sshrl.u32 s19, $0x1;
	_ =	swait.ge [sflag:s8], $0x2000  }
0x19: {  	s16 =	simm.s32 $0x8400;
	s31 =	ssub.s32 s19, s20;
	[sflag:s8] =	ssyncset.done $0x0  }
0x1a: {  	s17 =	sadd.s32 s18, s17;
	s18 =	smax.u32 s31, $0x1;
	[sflag:s8] =	ssyncadd.s32 $0xFFFFE000  }
0x1b: {  	[tilespmem:s16], [sflag:$0x1] =	stream.indirect.gather [hbm4b:s2+s6], $0x80, s15, s6, $0xb8;
	[tilespmem:$0xA400] =	vst v63  }
0x1c: {  	p0 =	sne.s32 s18, $0x1;
	_ =	swait.ge [sflag:s8], $0x2000  }
.Ltmp0:
0x1d: {  	[sflag:s8] =	ssyncset.done $0x0;
	(pc) =	sbr.rel @!p0 .LBB2_2-.Ltmp0, $4  }
0x1e: {  	s17 =	sadd.s32 $0x7600, s17;
	[sflag:s8] =	ssyncadd.s32 $0xFFFFE000  }
0x1f: {  	[hbm4b:s17+s3] =	stream.linear.scatter [tilespmem:s7], [sflag:$0x2], $0xA000, $0x38;
	[tilespmem:$0xA400] =	vst v63  }
0x20: {  	_ =	swait.ge [sflag:s4], $0xA000  }
0x21: {  	s18 =	sadd.s32 $0xFFFFFFFF, s18;
	[sflag:s4] =	ssyncset.done $0x0  }
.LBB2_1:
0x22: {  	p0 =	sne.s32 s18, $0x1;
	s18 =	sadd.s32 $0xFFFFFFFF, s18;
	[sflag:s4] =	ssyncadd.s32 $0xFFFF6000  }
0x23: {  	[tilespmem:s3], [sflag:$0x2] =	stream.linear.gather [hbm4b:s5+s3], $0x280, $0x38;
	[tilespmem:$0xA400] =	vst v63  }
0x24: {  	_ =	swait.ge [sflag:s4], $0x280  }
0x25: {  	[sflag:s4] =	ssyncset.done $0x0  }
0x26: {  	[sflag:s4] =	ssyncadd.s32 $0xFFFFFD80  }
0x27: {  	[tilespmem:s7], [sflag:$0x1] =	stream.indirect.gather [hbm4b:s2+s6], $0x80, s3, s6, $0xb8;
	[tilespmem:$0xA400] =	vst v63  }
0x28: {  	_ =	swait.ge [sflag:s8], $0x2000  }
0x29: {  	[sflag:s8] =	ssyncset.done $0x0  }
0x2a: {  	[sflag:s8] =	ssyncadd.s32 $0xFFFFE000  }
0x2b: {  	[tilespmem:s10], [sflag:$0x1] =	stream.indirect.gather [hbm4b:s2+s6], $0x80, s9, s6, $0xb8;
	[tilespmem:$0xA400] =	vst v63  }
0x2c: {  	_ =	swait.ge [sflag:s8], $0x2000  }
0x2d: {  	[sflag:s8] =	ssyncset.done $0x0  }
0x2e: {  	[sflag:s8] =	ssyncadd.s32 $0xFFFFE000  }
0x2f: {  	[tilespmem:s12], [sflag:$0x1] =	stream.indirect.gather [hbm4b:s2+s6], $0x80, s11, s6, $0xb8;
	[tilespmem:$0xA400] =	vst v63  }
0x30: {  	_ =	swait.ge [sflag:s8], $0x2000  }
0x31: {  	[sflag:s8] =	ssyncset.done $0x0  }
0x32: {  	[sflag:s8] =	ssyncadd.s32 $0xFFFFE000  }
0x33: {  	[tilespmem:s14], [sflag:$0x1] =	stream.indirect.gather [hbm4b:s2+s6], $0x80, s13, s6, $0xb8;
	[tilespmem:$0xA400] =	vst v63  }
0x34: {  	_ =	swait.ge [sflag:s8], $0x2000  }
0x35: {  	[sflag:s8] =	ssyncset.done $0x0  }
0x36: {  	[sflag:s8] =	ssyncadd.s32 $0xFFFFE000  }
0x37: {  	[tilespmem:s16], [sflag:$0x1] =	stream.indirect.gather [hbm4b:s2+s6], $0x80, s15, s6, $0xb8;
	[tilespmem:$0xA400] =	vst v63  }
0x38: {  	_ =	swait.ge [sflag:s8], $0x2000  }
.Ltmp1:
0x39: {  	[sflag:s8] =	ssyncset.done $0x0;
	(pc) =	sbr.rel @p0 .LBB2_1-.Ltmp1, $4  }
0x3a: {  	[sflag:s8] =	ssyncadd.s32 $0xFFFFE000  }
0x3b: {  	[hbm4b:s17+s3] =	stream.linear.scatter [tilespmem:s7], [sflag:$0x2], $0xA000, $0x38;
	[tilespmem:$0xA400] =	vst v63  }
0x3c: {  	_ =	swait.ge [sflag:s4], $0xA000  }
0x3d: {  	[sflag:s4] =	ssyncset.done $0x0  }
.LBB2_2:
0x3e: {  	[sflag:s4] =	ssyncadd.s32 $0xFFFF6000  }
0x3f: {  	_ =	sfence.sel $0x180000  }
0x40: {  	[bflag:$0x0] =	sbarrier.arrive $0xFFFF  }
0x41: {  	p0 =	sne.s32 s0, $0x0;
	_ =	strace $0x90000047  }
0x42: {  	s0 =	sadd.s32 @!p0 $0x100000, s1;
	[bflag:$0x2] =	sbarrier.arrive $0xFFFF  }
0x43: {  	[sflag:s0] =	ssyncadd.tile.s32 @!p0 $0x1;
	_ =	shalt  }
.Lfunc_end2:
_tile_overlayer_lowered:
.L_overlay_start_2:
0x44: {  	(tag) =	ssettag $0x2  }
0x45: {  	s0 =	rddreg [dreg:$0x0];
	s2 =	stileid.u32  }
0x46: {  	s1 =	rddreg [dreg:$0x1];
	p0 =	sne.s32 s2, $0x0  }
0x47: {  	s3 =	rddreg [dreg:$0x2];
	[bflag:$0x3] =	sbarrier.arrive $0xFFFF;
	s2 =	simm.s32 @!p0 $0x1C02  }
0x48: {  	[timem:s3], [sflag:s2] =	dma.local @!p0 [hbm:s0], s1  }
0x49: {  	s0 =	simm.s32 @!p0 $0x2  }
0x4a: {  	_ =	swait.ge @!p0 [sflag:s0], s1  }
0x4b: {  	s1 =	ssub.s32 @!p0 $0x0, s1;
	[sflag:s0] =	ssyncset.done @!p0 $0x0  }
0x4c: {  	[sflag:s0] =	ssyncadd.s32 @!p0 s1  }
0x4d: {  	[bflag:$0x3] =	sbarrier.arrive $0xFFFF  }
0x4e: {  	_ =	shalt  }

// kernel: kernel.15.cloned.1.call-start
scs
__scs_entry_jumppad:
0x0: {  	(pc) =	sbr.rel $0x88, $3  }
0x1: {  	(tag) =	ssettag $0x0;
	lr =	simm.s32 $0x1  }
0x2: {  	[smem:$0x3F89] =	sst lr;
	_ =	strace $0xD0000000  }
0x3: {  	_ = 	snop  }
0x4: {  	_ = 	snop  }
0x5: {  	_ = 	snop  }
0x6: {  	_ = 	snop  }
0x7: {  	_ = 	snop  }
__scs_overlays_trampoline_lowered:
0x8: {  	[smem:$0x3F98] =	sst s0  }
0x9: {  	[smem:$0x3F99] =	sst s1  }
0xa: {  	[smem:$0x3F9A] =	sst s2  }
0xb: {  	[smem:$0x3F9B] =	sst s3  }
0xc: {  	[smem:$0x3F9C] =	sst s4  }
0xd: {  	[smem:$0x3F9D] =	sst s5  }
0xe: {  	[smem:$0x3F9E] =	sst s6  }
0xf: {  	[smem:$0x3F9F] =	sst s7  }
0x10: {  	[smem:$0x3FA0] =	sst s8  }
0x11: {  	[smem:$0x3FA1] =	sst s9;
	s0 =	simm.s32 @!p0 $0x0  }
0x12: {  	s1 =	sld [smem:$0x3F87];
	s0 =	simm.s32 @p0 $0x1  }
0x13: {  	[smem:$0x3FA2] =	sst s0;
	s0 =	simm.s32 @!p1 $0x0  }
0x14: {  	s2 =	sld [smem:$0x3F86];
	s0 =	simm.s32 @p1 $0x1  }
0x15: {  	[smem:$0x3FA3] =	sst s0;
	s0 =	simm.s32 @!p2 $0x0  }
0x16: {  	s3 =	sld [smem:$0x3FDB];
	s0 =	simm.s32 @p2 $0x1  }
0x17: {  	s4 =	simm.s32 $0x1BF5;
	[smem:$0x3FA5] =	sst s0  }
0x18: {  	s0 =	sld [smem:$0x3F88];
	_ =	swait.ge [sflag:s4], $0x0  }
0x19: {  	s7 =	sld [smem:$0x3F89]  }
0x1a: {  	s8 =	sadd.s32 $0xFFFFE003, lr  }
0x1b: {  	s9 =	sadd.s32 $0xFFFFFEF7, lr;
	s5 =	simm.s32 $0xFFFFFFFF;
	p2 =	slt.u32 s8, $0xFFFFF086  }
0x1c: {  	p1 =	slt.u32 s9, $0xF7A;
	s5 =	simm.s32 @!p2 $0x0  }
0x1d: {  	s5 =	simm.s32 @p1 $0x1;
	p0 =	seq.s32 s7, s2  }
0x1e: {  	s7 =	smul.u32 @!p0 $0xF7A, s2;
	p2 =	seq.s32 @!p0 s5, $0x0  }
0x1f: {  	s9 =	smul.u32 $0xF7A, s1;
	s8 =	simm.s32 @!p0 $0x1BF5;
	p2 =	por !p2, p0  }
0x20: {  	[sflag:s8] =	ssyncset.s32 @!p0 $0xFFFFF086;
	s6 =	sadd.s32 @!p0 s3, s7;
	s7 =	simm.s32 @!p0 $0x108  }
0x21: {  	s3 =	sadd.s32 s3, s9;
	s6 =	sadd.s32 @!p0 $0x88, s6;
	s7 =	simm.s32 @p2 $0x1082  }
0x22: {  	[simem:s7], [sflag:s8] =	dma.local @!p0 [hbm:s6], $0xF7A  }
0x23: {  	s9 =	sor.u32 $0xD0000000, s2;
	s6 =	simm.s32 $0x108;
	_ =	swait.ge @!p0 [sflag:s8], $0x0  }
0x24: {  	s3 =	sadd.s32 $0x88, s3;
	s6 =	simm.s32 @!p1 $0x1082;
	[sflag:s4] =	ssyncset.s32 $0xFFFFF086  }
0x25: {  	[simem:s6], [sflag:s4] =	dma.local [hbm:s3], $0xF7A  }
0x26: {  	[smem:$0x3F89] =	sst s1;
	(tag) =	ssettag s2;
	_ =	strace s9  }
0x27: {  	s1 =	sld [smem:$0x3F99]  }
0x28: {  	s2 =	sld [smem:$0x3F9A]  }
0x29: {  	s4 =	sld [smem:$0x3F9C]  }
0x2a: {  	p0 =	seq.s32 s5, $0x0;
	s5 =	sld [smem:$0x3F9D]  }
0x2b: {  	s6 =	sld [smem:$0x3F9E]  }
0x2c: {  	s7 =	sld [smem:$0x3F9F]  }
0x2d: {  	s3 =	simm.s32 $0x108;
	s8 =	sld [smem:$0x3FA0]  }
0x2e: {  	s3 =	simm.s32 @!p0 $0x1082;
	s9 =	sld [smem:$0x3FA1]  }
0x2f: {  	lr =	sadd.s32 s0, s3;
	s0 =	sld [smem:$0x3F98]  }
0x30: {  	s3 =	sld [smem:$0x3F9B]  }
0x31: {  	[smem:$0x3FA4] =	sst s10  }
0x32: {  	s10 =	sld [smem:$0x3FA2];
	_ =	sdelay $0x3  }
0x33: {  	p0 =	seq.s32 s10, $0x1;
	s10 =	sld [smem:$0x3FA4];
	_ =	sdelay $0x3  }
0x34: {  	[smem:$0x3FA4] =	sst s10  }
0x35: {  	s10 =	sld [smem:$0x3FA3];
	_ =	sdelay $0x3  }
0x36: {  	p1 =	seq.s32 s10, $0x1;
	s10 =	sld [smem:$0x3FA4];
	_ =	sdelay $0x3  }
0x37: {  	[smem:$0x3FA4] =	sst s10  }
0x38: {  	s10 =	sld [smem:$0x3FA5]  }
0x39: {  	_ = 	snop;
	(pc) =	sbr.ind lr, $3  }
0x3a: {  	_ = 	snop  }
0x3b: {  	_ = 	snop  }
0x3c: {  	p2 =	seq.s32 s10, $0x1;
	s10 =	sld [smem:$0x3FA4]  }
0x3d: {  	_ =	shalt  }
0x3e: {  	_ =	shalt  }
0x3f: {  	_ =	shalt  }
0x40: {  	_ =	shalt  }
0x41: {  	_ =	shalt  }
0x42: {  	_ =	shalt  }
0x43: {  	_ =	shalt  }
0x44: {  	_ =	shalt  }
0x45: {  	_ =	shalt  }
0x46: {  	_ =	shalt  }
0x47: {  	_ =	shalt  }
0x48: {  	_ =	shalt  }
0x49: {  	_ =	shalt  }
0x4a: {  	_ =	shalt  }
0x4b: {  	_ =	shalt  }
0x4c: {  	_ =	shalt  }
0x4d: {  	_ =	shalt  }
0x4e: {  	_ =	shalt  }
0x4f: {  	_ =	shalt  }
0x50: {  	_ =	shalt  }
0x51: {  	_ =	shalt  }
0x52: {  	_ =	shalt  }
0x53: {  	_ =	shalt  }
0x54: {  	_ =	shalt  }
0x55: {  	_ =	shalt  }
0x56: {  	_ =	shalt  }
0x57: {  	_ =	shalt  }
0x58: {  	_ =	shalt  }
0x59: {  	_ =	shalt  }
0x5a: {  	_ =	shalt  }
0x5b: {  	_ =	shalt  }
0x5c: {  	_ =	shalt  }
0x5d: {  	_ =	shalt  }
0x5e: {  	_ =	shalt  }
0x5f: {  	_ =	shalt  }
0x60: {  	_ =	shalt  }
0x61: {  	_ =	shalt  }
0x62: {  	_ =	shalt  }
0x63: {  	_ =	shalt  }
0x64: {  	_ =	shalt  }
0x65: {  	_ =	shalt  }
0x66: {  	_ =	shalt  }
0x67: {  	_ =	shalt  }
0x68: {  	_ =	shalt  }
0x69: {  	_ =	shalt  }
0x6a: {  	_ =	shalt  }
0x6b: {  	_ =	shalt  }
0x6c: {  	_ =	shalt  }
0x6d: {  	_ =	shalt  }
0x6e: {  	_ =	shalt  }
0x6f: {  	_ =	shalt  }
0x70: {  	_ =	shalt  }
0x71: {  	_ =	shalt  }
0x72: {  	_ =	shalt  }
0x73: {  	_ =	shalt  }
0x74: {  	_ =	shalt  }
0x75: {  	_ =	shalt  }
0x76: {  	_ =	shalt  }
0x77: {  	_ =	shalt  }
0x78: {  	_ =	shalt  }
0x79: {  	_ =	shalt  }
0x7a: {  	_ =	shalt  }
0x7b: {  	_ =	shalt  }
0x7c: {  	_ =	shalt  }
0x7d: {  	_ =	shalt  }
0x7e: {  	_ =	shalt  }
0x7f: {  	_ =	shalt  }
0x80: {  	_ =	shalt  }
0x81: {  	_ =	shalt  }
0x82: {  	_ =	shalt  }
0x83: {  	_ =	shalt  }
0x84: {  	_ =	shalt  }
0x85: {  	_ =	shalt  }
0x86: {  	_ =	shalt  }
0x87: {  	_ =	shalt  }
.Lfunc_end0:
.L_simem_size_0:
called_computation.1_lowered:
.L_overlay_start_0:
0x88: {  	s2 =	sld [smem:$0x3FD9]  }
0x89: {  	s3 =	sld [smem:$0x3FFE];
	_ =	sdelay $0x1  }
0x8a: {  	s1 =	srdreg.scid  }
0x8b: {  	s0 =	sand.u32 $0x1, s1  }
0x8c: {  	s16 =	sshll.u32 s0, $0xA;
	s2 =	sadd.s32 s3, s2  }
0x8d: {  	s2 =	sadd.s32 s2, s16  }
0x8e: {  	[smem:$0x3FB0] =	sst s2  }
0x8f: {  	_ = 	snop  }
0x90: {  	(tm) =	ssettm $0x1  }
0x91: {  	s17 =	sld [smem:$0x3FFB];
	_ =	sdelay $0x3  }
0x92: {  	_ =	strace s17  }
0x93: {  	s2 =	sld [smem:$0x3FFC];
	_ =	sdelay $0x3  }
0x94: {  	_ =	strace s2  }
0x95: {  	s2 =	sld [smem:$0x3FFD];
	_ =	sdelay $0x3  }
0x96: {  	_ =	strace s2  }
0x97: {  	_ =	strace $0x8FFFFFFF  }
0x98: {  	s18 =	sld [smem:$0x3FDB];
	_ =	sdelay $0x1  }
0x99: {  	s19 =	simm.s32 $_scs_section_size  }
0x9a: {  	s4 =	simm.s32 $_size__tile_overlayer_lowered;
	s5 =	simm.s32 $_tile_overlayer_lowered  }
0x9b: {  	s22 =	simm.s32 $0x1BFF;
	s21 =	sshll.u32 s5, $0x1;
	s2 =	sadd.s32 s19, s18  }
0x9c: {  	s6 =	simm.s32 $0x0;
	s20 =	sshll.u32 s4, $0x1;
	s4 =	sadd.s32 s21, s2  }
0x9d: {  	[timem:s6], [sflag:s22] =	dma.local [hbm:s4], s20  }
0x9e: {  	_ =	swait.ge [sflag:s22], s20  }
0x9f: {  	s3 =	ssub.s32 $0x0, s20;
	[sflag:s22] =	ssyncset.done $0x0  }
0xa0: {  	[sflag:s22] =	ssyncadd.s32 s3;
	_ =	sdelay $0x1  }
0xa1: {  	s23 =	simm.s32 $0x1B8B  }
0xa2: {  	_ =	swait.ge [sflag:s23], $0x1  }
0xa3: {  	[sflag:s23] =	ssyncset.done $0x0  }
0xa4: {  	s25 =	simm.s32 $0x1B8E;
	s24 =	sld [smem:$0x3FFE];
	[sflag:s23] =	ssyncadd.s32 $0xFFFFFFFF  }
0xa5: {  	s26 =	simm.s32 $execute0_lowered;
	[smem:$0x3FD2] =	sst s25  }
0xa6: {  	s4 =	sshll.u32 s26, $0x1;
	_ =	strace $0x80000049;
	[dreg:$0x1] =	wrdreg $0xFFFFFFFF  }
0xa7: {  	s28 =	simm.s32 $_size_execute0_lowered;
	s2 =	sadd.s32 s2, s4;
	[dreg:$0x0] =	wrdreg $0x0  }
0xa8: {  	s4 =	sshll.u32 s28, $0x1;
	[dreg:$0x2] =	wrdreg s2  }
0xa9: {  	[dreg:$0x3] =	wrdreg s4  }
0xaa: {  	[dreg:$0x4] =	wrdreg $0xC0  }
0xab: {  	_ =	task [dreg:s6], $0x5FFFF  }
0xac: {  	[dreg:$0x1] =	wrdreg $0xFFFFFFFF  }
0xad: {  	[dreg:$0x0] =	wrdreg $0x60  }
0xae: {  	[dreg:$0x2] =	wrdreg s24  }
0xaf: {  	[dreg:$0x3] =	wrdreg $0x90000  }
0xb0: {  	[dreg:$0x4] =	wrdreg $0x9  }
0xb1: {  	_ =	task.clear_ibuf [dreg:s6], $0x5FFFF;
	_ =	strace $0x90000049  }
0xb2: {  	s29 =	simm.s32 $0x9;
	_ =	strace $0x8000004B  }
0xb3: {  	_ =	swait.ge [sflag:s29], $0x1  }
0xb4: {  	[sflag:s29] =	ssyncadd.s32 $0xFFFFFFFF  }
0xb5: {  	_ =	strace $0x9000004B  }
0xb6: {  	_ =	sfence  }
0xb7: {  	s30 =	sld [smem:$0x0];
	_ =	sdelay $0x2  }
0xb8: {  	s31 =	sshll.u32 s1, $0xD;
	s1 =	sshrl.u32 s1, $0x2  }
0xb9: {  	s3 =	sand.u32 $0x4000, s31;
	s1 =	sadd.s32 s1, s30  }
0xba: {  	s0 =	sor.u32 s3, s0;
	s1 =	sshll.u32 s1, $0x11  }
0xbb: {  	s0 =	sor.u32 s1, s0  }
0xbc: {  	s0 =	sadd.s32 $0x8F2B, s0  }
0xbd: {  	[sflag:s0] =	ssyncadd.remote.s32 $0x1  }
0xbe: {  	_ =	sfence.sel $0xFFFF  }
0xbf: {  	[dreg:$0x0] =	wrdreg $0xFFFFFFFF;
	(pc) =	sbr.abs _section_cstart, $3  }
0xc0: {  	[dreg:$0x1] =	wrdreg $0xFFFFFFFF  }
0xc1: {  	_ =	task.clear_ibuf [dreg:s6], $0x2FFFF;
	_ =	strace $0x9FFFFFFF  }
0xc2: {  	(tm) =	ssettm $0x7FFFFFFF  }
0xc3: {  	_ =	shalt  }
tec
execute0_lowered:
.L_overlay_start_1:
0x0: {  	(tag) =	ssettag $0x1  }
0x1: {  	s1 =	srdreg.scid  }
0x2: {  	s0 =	stileid.u32;
	s5 =	rddreg [dreg:$0x0]  }
0x3: {  	s2 =	rddreg [dreg:$0x1];
	s3 =	simm.s32 $0x0;
	s14 =	simm.s32 $0x5000  }
0x4: {  	s15 =	simm.s32 $0x1;
	s6 =	sand.u32 $0x1, s1;
	s1 =	rddreg [dreg:$0x2]  }
0x5: {  	s26 =	sshll.u32 s0, $0x1;
	[smem:$0x7FF] =	sst s3;
	s16 =	smul.u32 $0x2800, s0  }
0x6: {  	s28 =	smul.u32 $0x50000, s0;
	s31 =	sshll.u32 s0, $0x6;
	s4 =	sor.u32 s6, s26  }
0x7: {  	_ =	strace $0x8000004A;
	s8 =	smul.u32 $0x28000, s6;
	s6 =	ssub.s32 $0x2, s6  }
0x8: {  	s7 =	smul.u32 $0x500, s4;
	s4 =	sadd.s32 $0x7600, s5;
	s10 =	sadd.s32 s16, s5  }
0x9: {  	s29 =	sshrl.u32 s6, $0x1;
	s30 =	sshrl.u32 s28, $0x2;
	s11 =	sadd.s32 s8, s5  }
0xa: {  	s12 =	ssub.s32 s6, s29;
	s13 =	sadd.s32 s30, s2;
	s6 =	sor.u32 $0x1C02, s31  }
0xb: {  	s9 =	sadd.s32 s7, s5;
	s5 =	sadd.s32 $0x43600, s10;
	s17 =	sadd.s32 $0x6B600, s11  }
0xc: {  	s10 =	sshrl.u32 s13, $0x3;
	s11 =	simm.s32 $0x2;
	s13 =	simm.s32 $0x80  }
0xd: {  	s7 =	sadd.s32 $0x2F600, s9;
	s8 =	sadd.s32 $0x39600, s9;
	s9 =	smax.u32 s12, $0x1  }
0xe: {  	s12 =	simm.s32 $0x2800;
	s16 =	sadd.s32 s16, s17;
	s17 =	simm.s32 $0x0  }
.LBB2_1:
0xf: {  	[spmem:s10], [sflag:s6] =	dma.local [hbm:s5], $0x2800  }
0x10: {  	_ =	swait.ge [sflag:s11], $0x2800  }
0x11: {  	[sflag:s11] =	ssyncset.done $0x0  }
0x12: {  	[sflag:s11] =	ssyncadd.s32 $0xFFFFD800  }
0x13: {  	[tilespmem:s3], [sflag:$0x2] =	stream.linear.gather [hbm4b:s7+s3], $0x2780, $0x38;
	[tilespmem:$0x1D000] =	vst v63  }
0x14: {  	_ =	swait.ge [sflag:s11], $0x2780  }
0x15: {  	[sflag:s11] =	ssyncset.done $0x0  }
0x16: {  	[sflag:s11] =	ssyncadd.s32 $0xFFFFD880  }
0x17: {  	[tilespmem:s12], [sflag:$0x2] =	stream.linear.gather [hbm4b:s8+s3], $0x2780, $0x38;
	[tilespmem:$0x1D000] =	vst v63  }
0x18: {  	_ =	swait.ge [sflag:s11], $0x2780  }
0x19: {  	[sflag:s11] =	ssyncset.done $0x0  }
0x1a: {  	[sflag:s11] =	ssyncadd.s32 $0xFFFFD880  }
0x1b: {  	s18 =	simm.s32 $0x0;
	[bflag:$0x0] =	sbarrier.arrive $0xFFFF  }
0x1c: {  	[tilespmem:s14], [sflag:$0x1] =	stream.indirect.gather [hbm4b:s4+s13], $0x80, s18, s13, $0xb8;
	[tilespmem:$0x1D000] =	vst v63  }
0x1d: {  	_ =	swait.ge [sflag:s15], $0x4000  }
0x1e: {  	[sflag:s15] =	ssyncset.done $0x0  }
0x1f: {  	s31 =	simm.s32 $0x2800;
	[sflag:s15] =	ssyncadd.s32 $0xFFFFC000  }
0x20: {  	[spmem:s2] =	stream.indirect.scatter.add.f32 [tilespmem:s14], [sflag:$0x2], $0x80, s31, s13, $0xb8;
	[tilespmem:$0x1D000] =	vst v63  }
0x21: {  	_ =	swait.ge [sflag:s11], $0x4000  }
0x22: {  	s19 =	simm.s32 $0x400;
	s18 =	simm.s32 $0x200;
	[sflag:s11] =	ssyncset.done $0x0  }
.LBB2_2:
0x23: {  	s20 =	sshra.s32 s18, $0x2  }
0x24: {  	[sflag:s11] =	ssyncadd.s32 $0xFFFFC000;
	s18 =	smov.u32 s19;
	s21 =	sadd.s32 $0x200, s19  }
0x25: {  	[tilespmem:s14], [sflag:$0x1] =	stream.indirect.gather [hbm4b:s4+s13], $0x80, s20, s13, $0xb8;
	[tilespmem:$0x1D000] =	vst v63  }
0x26: {  	p0 =	sne.s32 s19, $0x9C00;
	_ =	swait.ge [sflag:s15], $0x4000  }
.Ltmp0:
0x27: {  	[sflag:s15] =	ssyncset.done $0x0;
	(pc) =	sbr.rel @p0 .LBB2_2-.Ltmp0, $4  }
0x28: {  	s19 =	sadd.s32 $0x2800, s20;
	[sflag:s15] =	ssyncadd.s32 $0xFFFFC000  }
0x29: {  	[spmem:s2] =	stream.indirect.scatter.add.f32 [tilespmem:s14], [sflag:$0x2], $0x80, s19, s13, $0xb8;
	[tilespmem:$0x1D000] =	vst v63  }
0x2a: {  	_ =	swait.ge [sflag:s11], $0x4000  }
0x2b: {  	s19 =	smov.u32 s21;
	[sflag:s11] =	ssyncset.done $0x0  }
0x2c: {  	s18 =	sshra.s32 s18, $0x2;
	[sflag:s11] =	ssyncadd.s32 $0xFFFFC000  }
0x2d: {  	[tilespmem:s14], [sflag:$0x1] =	stream.indirect.gather [hbm4b:s4+s13], $0x80, s18, s13, $0xb8;
	[tilespmem:$0x1D000] =	vst v63  }
0x2e: {  	_ =	swait.ge [sflag:s15], $0x4000  }
0x2f: {  	[sflag:s15] =	ssyncset.done $0x0  }
0x30: {  	s18 =	sadd.s32 $0x2800, s18;
	[sflag:s15] =	ssyncadd.s32 $0xFFFFC000  }
0x31: {  	[spmem:s2] =	stream.indirect.scatter.add.f32 [tilespmem:s14], [sflag:$0x2], $0x80, s18, s13, $0xb8;
	[tilespmem:$0x1D000] =	vst v63  }
0x32: {  	_ =	swait.ge [sflag:s11], $0x4000  }
0x33: {  	s17 =	sadd.s32 $0x1, s17;
	[sflag:s11] =	ssyncset.done $0x0  }
0x34: {  	p0 =	sne.s32 s17, s9;
	[sflag:s11] =	ssyncadd.s32 $0xFFFFC000  }
.Ltmp1:
0x35: {  	[bflag:$0x0] =	sbarrier.arrive $0xFFFF;
	(pc) =	sbr.rel @p0 .LBB2_1-.Ltmp1, $4  }
0x36: {  	[hbm:s16], [sflag:s6] =	dma.local [spmem:s10], $0x2800  }
0x37: {  	_ =	swait.ge [sflag:s11], $0x2800  }
0x38: {  	[sflag:s11] =	ssyncset.done $0x0  }
0x39: {  	[sflag:s11] =	ssyncadd.s32 $0xFFFFD800  }
0x3a: {  	_ =	sfence.sel $0x180000  }
0x3b: {  	[bflag:$0x0] =	sbarrier.arrive $0xFFFF  }
0x3c: {  	p0 =	sne.s32 s0, $0x0;
	_ =	strace $0x9000004A  }
0x3d: {  	s0 =	sadd.s32 @!p0 $0x100000, s1;
	[bflag:$0x2] =	sbarrier.arrive $0xFFFF  }
0x3e: {  	[sflag:s0] =	ssyncadd.tile.s32 @!p0 $0x1;
	_ =	shalt  }
.Lfunc_end2:
_tile_overlayer_lowered:
.L_overlay_start_2:
0x3f: {  	(tag) =	ssettag $0x2  }
0x40: {  	s0 =	rddreg [dreg:$0x0];
	s2 =	stileid.u32  }
0x41: {  	s1 =	rddreg [dreg:$0x1];
	p0 =	sne.s32 s2, $0x0  }
0x42: {  	s3 =	rddreg [dreg:$0x2];
	[bflag:$0x3] =	sbarrier.arrive $0xFFFF;
	s2 =	simm.s32 @!p0 $0x1C02  }
0x43: {  	[timem:s3], [sflag:s2] =	dma.local @!p0 [hbm:s0], s1  }
0x44: {  	s0 =	simm.s32 @!p0 $0x2  }
0x45: {  	_ =	swait.ge @!p0 [sflag:s0], s1  }
0x46: {  	s1 =	ssub.s32 @!p0 $0x0, s1;
	[sflag:s0] =	ssyncset.done @!p0 $0x0  }
0x47: {  	[sflag:s0] =	ssyncadd.s32 @!p0 s1  }
0x48: {  	[bflag:$0x3] =	sbarrier.arrive $0xFFFF  }
0x49: {  	_ =	shalt  }

// kernel: kernel.18.cloned.1.call-start
scs
__scs_entry_jumppad:
0x0: {  	(pc) =	sbr.rel $0x88, $3  }
0x1: {  	(tag) =	ssettag $0x0;
	lr =	simm.s32 $0x1  }
0x2: {  	[smem:$0x3F89] =	sst lr;
	_ =	strace $0xD0000000  }
0x3: {  	_ = 	snop  }
0x4: {  	_ = 	snop  }
0x5: {  	_ = 	snop  }
0x6: {  	_ = 	snop  }
0x7: {  	_ = 	snop  }
__scs_overlays_trampoline_lowered:
0x8: {  	[smem:$0x3F98] =	sst s0  }
0x9: {  	[smem:$0x3F99] =	sst s1  }
0xa: {  	[smem:$0x3F9A] =	sst s2  }
0xb: {  	[smem:$0x3F9B] =	sst s3  }
0xc: {  	[smem:$0x3F9C] =	sst s4  }
0xd: {  	[smem:$0x3F9D] =	sst s5  }
0xe: {  	[smem:$0x3F9E] =	sst s6  }
0xf: {  	[smem:$0x3F9F] =	sst s7  }
0x10: {  	[smem:$0x3FA0] =	sst s8  }
0x11: {  	[smem:$0x3FA1] =	sst s9;
	s0 =	simm.s32 @!p0 $0x0  }
0x12: {  	s1 =	sld [smem:$0x3F87];
	s0 =	simm.s32 @p0 $0x1  }
0x13: {  	[smem:$0x3FA2] =	sst s0;
	s0 =	simm.s32 @!p1 $0x0  }
0x14: {  	s2 =	sld [smem:$0x3F86];
	s0 =	simm.s32 @p1 $0x1  }
0x15: {  	[smem:$0x3FA3] =	sst s0;
	s0 =	simm.s32 @!p2 $0x0  }
0x16: {  	s3 =	sld [smem:$0x3FDB];
	s0 =	simm.s32 @p2 $0x1  }
0x17: {  	s4 =	simm.s32 $0x1BF5;
	[smem:$0x3FA5] =	sst s0  }
0x18: {  	s0 =	sld [smem:$0x3F88];
	_ =	swait.ge [sflag:s4], $0x0  }
0x19: {  	s7 =	sld [smem:$0x3F89]  }
0x1a: {  	s8 =	sadd.s32 $0xFFFFE003, lr  }
0x1b: {  	s9 =	sadd.s32 $0xFFFFFEF7, lr;
	s5 =	simm.s32 $0xFFFFFFFF;
	p2 =	slt.u32 s8, $0xFFFFF086  }
0x1c: {  	p1 =	slt.u32 s9, $0xF7A;
	s5 =	simm.s32 @!p2 $0x0  }
0x1d: {  	s5 =	simm.s32 @p1 $0x1;
	p0 =	seq.s32 s7, s2  }
0x1e: {  	s7 =	smul.u32 @!p0 $0xF7A, s2;
	p2 =	seq.s32 @!p0 s5, $0x0  }
0x1f: {  	s9 =	smul.u32 $0xF7A, s1;
	s8 =	simm.s32 @!p0 $0x1BF5;
	p2 =	por !p2, p0  }
0x20: {  	[sflag:s8] =	ssyncset.s32 @!p0 $0xFFFFF086;
	s6 =	sadd.s32 @!p0 s3, s7;
	s7 =	simm.s32 @!p0 $0x108  }
0x21: {  	s3 =	sadd.s32 s3, s9;
	s6 =	sadd.s32 @!p0 $0x88, s6;
	s7 =	simm.s32 @p2 $0x1082  }
0x22: {  	[simem:s7], [sflag:s8] =	dma.local @!p0 [hbm:s6], $0xF7A  }
0x23: {  	s9 =	sor.u32 $0xD0000000, s2;
	s6 =	simm.s32 $0x108;
	_ =	swait.ge @!p0 [sflag:s8], $0x0  }
0x24: {  	s3 =	sadd.s32 $0x88, s3;
	s6 =	simm.s32 @!p1 $0x1082;
	[sflag:s4] =	ssyncset.s32 $0xFFFFF086  }
0x25: {  	[simem:s6], [sflag:s4] =	dma.local [hbm:s3], $0xF7A  }
0x26: {  	[smem:$0x3F89] =	sst s1;
	(tag) =	ssettag s2;
	_ =	strace s9  }
0x27: {  	s1 =	sld [smem:$0x3F99]  }
0x28: {  	s2 =	sld [smem:$0x3F9A]  }
0x29: {  	s4 =	sld [smem:$0x3F9C]  }
0x2a: {  	p0 =	seq.s32 s5, $0x0;
	s5 =	sld [smem:$0x3F9D]  }
0x2b: {  	s6 =	sld [smem:$0x3F9E]  }
0x2c: {  	s7 =	sld [smem:$0x3F9F]  }
0x2d: {  	s3 =	simm.s32 $0x108;
	s8 =	sld [smem:$0x3FA0]  }
0x2e: {  	s3 =	simm.s32 @!p0 $0x1082;
	s9 =	sld [smem:$0x3FA1]  }
0x2f: {  	lr =	sadd.s32 s0, s3;
	s0 =	sld [smem:$0x3F98]  }
0x30: {  	s3 =	sld [smem:$0x3F9B]  }
0x31: {  	[smem:$0x3FA4] =	sst s10  }
0x32: {  	s10 =	sld [smem:$0x3FA2];
	_ =	sdelay $0x3  }
0x33: {  	p0 =	seq.s32 s10, $0x1;
	s10 =	sld [smem:$0x3FA4];
	_ =	sdelay $0x3  }
0x34: {  	[smem:$0x3FA4] =	sst s10  }
0x35: {  	s10 =	sld [smem:$0x3FA3];
	_ =	sdelay $0x3  }
0x36: {  	p1 =	seq.s32 s10, $0x1;
	s10 =	sld [smem:$0x3FA4];
	_ =	sdelay $0x3  }
0x37: {  	[smem:$0x3FA4] =	sst s10  }
0x38: {  	s10 =	sld [smem:$0x3FA5]  }
0x39: {  	_ = 	snop;
	(pc) =	sbr.ind lr, $3  }
0x3a: {  	_ = 	snop  }
0x3b: {  	_ = 	snop  }
0x3c: {  	p2 =	seq.s32 s10, $0x1;
	s10 =	sld [smem:$0x3FA4]  }
0x3d: {  	_ =	shalt  }
0x3e: {  	_ =	shalt  }
0x3f: {  	_ =	shalt  }
0x40: {  	_ =	shalt  }
0x41: {  	_ =	shalt  }
0x42: {  	_ =	shalt  }
0x43: {  	_ =	shalt  }
0x44: {  	_ =	shalt  }
0x45: {  	_ =	shalt  }
0x46: {  	_ =	shalt  }
0x47: {  	_ =	shalt  }
0x48: {  	_ =	shalt  }
0x49: {  	_ =	shalt  }
0x4a: {  	_ =	shalt  }
0x4b: {  	_ =	shalt  }
0x4c: {  	_ =	shalt  }
0x4d: {  	_ =	shalt  }
0x4e: {  	_ =	shalt  }
0x4f: {  	_ =	shalt  }
0x50: {  	_ =	shalt  }
0x51: {  	_ =	shalt  }
0x52: {  	_ =	shalt  }
0x53: {  	_ =	shalt  }
0x54: {  	_ =	shalt  }
0x55: {  	_ =	shalt  }
0x56: {  	_ =	shalt  }
0x57: {  	_ =	shalt  }
0x58: {  	_ =	shalt  }
0x59: {  	_ =	shalt  }
0x5a: {  	_ =	shalt  }
0x5b: {  	_ =	shalt  }
0x5c: {  	_ =	shalt  }
0x5d: {  	_ =	shalt  }
0x5e: {  	_ =	shalt  }
0x5f: {  	_ =	shalt  }
0x60: {  	_ =	shalt  }
0x61: {  	_ =	shalt  }
0x62: {  	_ =	shalt  }
0x63: {  	_ =	shalt  }
0x64: {  	_ =	shalt  }
0x65: {  	_ =	shalt  }
0x66: {  	_ =	shalt  }
0x67: {  	_ =	shalt  }
0x68: {  	_ =	shalt  }
0x69: {  	_ =	shalt  }
0x6a: {  	_ =	shalt  }
0x6b: {  	_ =	shalt  }
0x6c: {  	_ =	shalt  }
0x6d: {  	_ =	shalt  }
0x6e: {  	_ =	shalt  }
0x6f: {  	_ =	shalt  }
0x70: {  	_ =	shalt  }
0x71: {  	_ =	shalt  }
0x72: {  	_ =	shalt  }
0x73: {  	_ =	shalt  }
0x74: {  	_ =	shalt  }
0x75: {  	_ =	shalt  }
0x76: {  	_ =	shalt  }
0x77: {  	_ =	shalt  }
0x78: {  	_ =	shalt  }
0x79: {  	_ =	shalt  }
0x7a: {  	_ =	shalt  }
0x7b: {  	_ =	shalt  }
0x7c: {  	_ =	shalt  }
0x7d: {  	_ =	shalt  }
0x7e: {  	_ =	shalt  }
0x7f: {  	_ =	shalt  }
0x80: {  	_ =	shalt  }
0x81: {  	_ =	shalt  }
0x82: {  	_ =	shalt  }
0x83: {  	_ =	shalt  }
0x84: {  	_ =	shalt  }
0x85: {  	_ =	shalt  }
0x86: {  	_ =	shalt  }
0x87: {  	_ =	shalt  }
.Lfunc_end0:
.L_simem_size_0:
called_computation.2_lowered:
.L_overlay_start_0:
0x88: {  	s2 =	sld [smem:$0x3FD9]  }
0x89: {  	s3 =	sld [smem:$0x3FFE];
	_ =	sdelay $0x1  }
0x8a: {  	s1 =	srdreg.scid  }
0x8b: {  	s0 =	sand.u32 $0x1, s1  }
0x8c: {  	s16 =	sshll.u32 s0, $0xA;
	s2 =	sadd.s32 s3, s2  }
0x8d: {  	s2 =	sadd.s32 s2, s16  }
0x8e: {  	[smem:$0x3FB0] =	sst s2  }
0x8f: {  	_ = 	snop  }
0x90: {  	(tm) =	ssettm $0x1  }
0x91: {  	s17 =	sld [smem:$0x3FFB];
	_ =	sdelay $0x3  }
0x92: {  	_ =	strace s17  }
0x93: {  	s2 =	sld [smem:$0x3FFC];
	_ =	sdelay $0x3  }
0x94: {  	_ =	strace s2  }
0x95: {  	s2 =	sld [smem:$0x3FFD];
	_ =	sdelay $0x3  }
0x96: {  	_ =	strace s2  }
0x97: {  	_ =	strace $0x8FFFFFFF  }
0x98: {  	s18 =	sld [smem:$0x3FDB];
	_ =	sdelay $0x1  }
0x99: {  	s19 =	simm.s32 $_scs_section_size  }
0x9a: {  	s4 =	simm.s32 $_size__tile_overlayer_lowered;
	s5 =	simm.s32 $_tile_overlayer_lowered  }
0x9b: {  	s22 =	simm.s32 $0x1BFF;
	s21 =	sshll.u32 s5, $0x1;
	s2 =	sadd.s32 s19, s18  }
0x9c: {  	s6 =	simm.s32 $0x0;
	s20 =	sshll.u32 s4, $0x1;
	s4 =	sadd.s32 s21, s2  }
0x9d: {  	[timem:s6], [sflag:s22] =	dma.local [hbm:s4], s20  }
0x9e: {  	_ =	swait.ge [sflag:s22], s20  }
0x9f: {  	s3 =	ssub.s32 $0x0, s20;
	[sflag:s22] =	ssyncset.done $0x0  }
0xa0: {  	[sflag:s22] =	ssyncadd.s32 s3;
	_ =	sdelay $0x1  }
0xa1: {  	s23 =	simm.s32 $0x1B8B  }
0xa2: {  	_ =	swait.ge [sflag:s23], $0x1  }
0xa3: {  	[sflag:s23] =	ssyncset.done $0x0  }
0xa4: {  	s25 =	simm.s32 $0x1B8E;
	s24 =	sld [smem:$0x3FFE];
	[sflag:s23] =	ssyncadd.s32 $0xFFFFFFFF  }
0xa5: {  	s26 =	simm.s32 $execute0_lowered;
	[smem:$0x3FD2] =	sst s25  }
0xa6: {  	s4 =	sshll.u32 s26, $0x1;
	_ =	strace $0x8000004C;
	[dreg:$0x1] =	wrdreg $0xFFFFFFFF  }
0xa7: {  	s28 =	simm.s32 $_size_execute0_lowered;
	s2 =	sadd.s32 s2, s4;
	[dreg:$0x0] =	wrdreg $0x0  }
0xa8: {  	s4 =	sshll.u32 s28, $0x1;
	[dreg:$0x2] =	wrdreg s2  }
0xa9: {  	[dreg:$0x3] =	wrdreg s4  }
0xaa: {  	[dreg:$0x4] =	wrdreg $0xC0  }
0xab: {  	_ =	task [dreg:s6], $0x5FFFF  }
0xac: {  	[dreg:$0x1] =	wrdreg $0xFFFFFFFF  }
0xad: {  	[dreg:$0x0] =	wrdreg $0x60  }
0xae: {  	[dreg:$0x2] =	wrdreg s24  }
0xaf: {  	[dreg:$0x3] =	wrdreg $0x90000  }
0xb0: {  	[dreg:$0x4] =	wrdreg $0x9  }
0xb1: {  	_ =	task.clear_ibuf [dreg:s6], $0x5FFFF;
	_ =	strace $0x9000004C  }
0xb2: {  	s29 =	simm.s32 $0x9;
	_ =	strace $0x8000004E  }
0xb3: {  	_ =	swait.ge [sflag:s29], $0x1  }
0xb4: {  	[sflag:s29] =	ssyncadd.s32 $0xFFFFFFFF  }
0xb5: {  	_ =	strace $0x9000004E  }
0xb6: {  	_ =	sfence  }
0xb7: {  	s30 =	sld [smem:$0x0];
	_ =	sdelay $0x2  }
0xb8: {  	s31 =	sshll.u32 s1, $0xD;
	s1 =	sshrl.u32 s1, $0x2  }
0xb9: {  	s3 =	sand.u32 $0x4000, s31;
	s1 =	sadd.s32 s1, s30  }
0xba: {  	s0 =	sor.u32 s3, s0;
	s1 =	sshll.u32 s1, $0x11  }
0xbb: {  	s0 =	sor.u32 s1, s0  }
0xbc: {  	s0 =	sadd.s32 $0x8F2B, s0  }
0xbd: {  	[sflag:s0] =	ssyncadd.remote.s32 $0x1  }
0xbe: {  	_ =	sfence.sel $0xFFFF  }
0xbf: {  	[dreg:$0x0] =	wrdreg $0xFFFFFFFF;
	(pc) =	sbr.abs _section_cstart, $3  }
0xc0: {  	[dreg:$0x1] =	wrdreg $0xFFFFFFFF  }
0xc1: {  	_ =	task.clear_ibuf [dreg:s6], $0x2FFFF;
	_ =	strace $0x9FFFFFFF  }
0xc2: {  	(tm) =	ssettm $0x7FFFFFFF  }
0xc3: {  	_ =	shalt  }
tec
execute0_lowered:
.L_overlay_start_1:
0x0: {  	(tag) =	ssettag $0x1  }
0x1: {  	s1 =	srdreg.scid  }
0x2: {  	s0 =	stileid.u32;
	s5 =	rddreg [dreg:$0x0]  }
0x3: {  	s2 =	rddreg [dreg:$0x1];
	s3 =	simm.s32 $0x0;
	s14 =	simm.s32 $0x5000  }
0x4: {  	s15 =	simm.s32 $0x1;
	s6 =	sand.u32 $0x1, s1;
	s1 =	rddreg [dreg:$0x2]  }
0x5: {  	s26 =	sshll.u32 s0, $0x1;
	[smem:$0x7FF] =	sst s3;
	s16 =	smul.u32 $0x2800, s0  }
0x6: {  	s28 =	smul.u32 $0x50000, s0;
	s31 =	sshll.u32 s0, $0x6;
	s4 =	sor.u32 s6, s26  }
0x7: {  	_ =	strace $0x8000004D;
	s8 =	smul.u32 $0x28000, s6;
	s6 =	ssub.s32 $0x2, s6  }
0x8: {  	s7 =	smul.u32 $0x500, s4;
	s4 =	sadd.s32 $0x6600, s5;
	s10 =	sadd.s32 s16, s5  }
0x9: {  	s29 =	sshrl.u32 s6, $0x1;
	s30 =	sshrl.u32 s28, $0x2;
	s11 =	sadd.s32 s8, s5  }
0xa: {  	s12 =	ssub.s32 s6, s29;
	s13 =	sadd.s32 s30, s2;
	s6 =	sor.u32 $0x1C02, s31  }
0xb: {  	s9 =	sadd.s32 s7, s5;
	s5 =	sadd.s32 $0x43600, s10;
	s17 =	sadd.s32 $0x6B600, s11  }
0xc: {  	s10 =	sshrl.u32 s13, $0x3;
	s11 =	simm.s32 $0x2;
	s13 =	simm.s32 $0x80  }
0xd: {  	s7 =	sadd.s32 $0x2F600, s9;
	s8 =	sadd.s32 $0x39600, s9;
	s9 =	smax.u32 s12, $0x1  }
0xe: {  	s12 =	simm.s32 $0x2800;
	s16 =	sadd.s32 s16, s17;
	s17 =	simm.s32 $0x0  }
.LBB2_1:
0xf: {  	[spmem:s10], [sflag:s6] =	dma.local [hbm:s5], $0x2800  }
0x10: {  	_ =	swait.ge [sflag:s11], $0x2800  }
0x11: {  	[sflag:s11] =	ssyncset.done $0x0  }
0x12: {  	[sflag:s11] =	ssyncadd.s32 $0xFFFFD800  }
0x13: {  	[tilespmem:s3], [sflag:$0x2] =	stream.linear.gather [hbm4b:s7+s3], $0x2780, $0x38;
	[tilespmem:$0x1D000] =	vst v63  }
0x14: {  	_ =	swait.ge [sflag:s11], $0x2780  }
0x15: {  	[sflag:s11] =	ssyncset.done $0x0  }
0x16: {  	[sflag:s11] =	ssyncadd.s32 $0xFFFFD880  }
0x17: {  	[tilespmem:s12], [sflag:$0x2] =	stream.linear.gather [hbm4b:s8+s3], $0x2780, $0x38;
	[tilespmem:$0x1D000] =	vst v63  }
0x18: {  	_ =	swait.ge [sflag:s11], $0x2780  }
0x19: {  	[sflag:s11] =	ssyncset.done $0x0  }
0x1a: {  	[sflag:s11] =	ssyncadd.s32 $0xFFFFD880  }
0x1b: {  	s18 =	simm.s32 $0x0;
	[bflag:$0x0] =	sbarrier.arrive $0xFFFF  }
0x1c: {  	[tilespmem:s14], [sflag:$0x1] =	stream.indirect.gather [hbm4b:s4+s13], $0x80, s18, s13, $0xb8;
	[tilespmem:$0x1D000] =	vst v63  }
0x1d: {  	_ =	swait.ge [sflag:s15], $0x4000  }
0x1e: {  	[sflag:s15] =	ssyncset.done $0x0  }
0x1f: {  	s31 =	simm.s32 $0x2800;
	[sflag:s15] =	ssyncadd.s32 $0xFFFFC000  }
0x20: {  	[spmem:s2] =	stream.indirect.scatter.add.f32 [tilespmem:s14], [sflag:$0x2], $0x80, s31, s13, $0xb8;
	[tilespmem:$0x1D000] =	vst v63  }
0x21: {  	_ =	swait.ge [sflag:s11], $0x4000  }
0x22: {  	s19 =	simm.s32 $0x400;
	s18 =	simm.s32 $0x200;
	[sflag:s11] =	ssyncset.done $0x0  }
.LBB2_2:
0x23: {  	s20 =	sshra.s32 s18, $0x2  }
0x24: {  	[sflag:s11] =	ssyncadd.s32 $0xFFFFC000;
	s18 =	smov.u32 s19;
	s21 =	sadd.s32 $0x200, s19  }
0x25: {  	[tilespmem:s14], [sflag:$0x1] =	stream.indirect.gather [hbm4b:s4+s13], $0x80, s20, s13, $0xb8;
	[tilespmem:$0x1D000] =	vst v63  }
0x26: {  	p0 =	sne.s32 s19, $0x9C00;
	_ =	swait.ge [sflag:s15], $0x4000  }
.Ltmp0:
0x27: {  	[sflag:s15] =	ssyncset.done $0x0;
	(pc) =	sbr.rel @p0 .LBB2_2-.Ltmp0, $4  }
0x28: {  	s19 =	sadd.s32 $0x2800, s20;
	[sflag:s15] =	ssyncadd.s32 $0xFFFFC000  }
0x29: {  	[spmem:s2] =	stream.indirect.scatter.add.f32 [tilespmem:s14], [sflag:$0x2], $0x80, s19, s13, $0xb8;
	[tilespmem:$0x1D000] =	vst v63  }
0x2a: {  	_ =	swait.ge [sflag:s11], $0x4000  }
0x2b: {  	s19 =	smov.u32 s21;
	[sflag:s11] =	ssyncset.done $0x0  }
0x2c: {  	s18 =	sshra.s32 s18, $0x2;
	[sflag:s11] =	ssyncadd.s32 $0xFFFFC000  }
0x2d: {  	[tilespmem:s14], [sflag:$0x1] =	stream.indirect.gather [hbm4b:s4+s13], $0x80, s18, s13, $0xb8;
	[tilespmem:$0x1D000] =	vst v63  }
0x2e: {  	_ =	swait.ge [sflag:s15], $0x4000  }
0x2f: {  	[sflag:s15] =	ssyncset.done $0x0  }
0x30: {  	s18 =	sadd.s32 $0x2800, s18;
	[sflag:s15] =	ssyncadd.s32 $0xFFFFC000  }
0x31: {  	[spmem:s2] =	stream.indirect.scatter.add.f32 [tilespmem:s14], [sflag:$0x2], $0x80, s18, s13, $0xb8;
	[tilespmem:$0x1D000] =	vst v63  }
0x32: {  	_ =	swait.ge [sflag:s11], $0x4000  }
0x33: {  	s17 =	sadd.s32 $0x1, s17;
	[sflag:s11] =	ssyncset.done $0x0  }
0x34: {  	p0 =	sne.s32 s17, s9;
	[sflag:s11] =	ssyncadd.s32 $0xFFFFC000  }
.Ltmp1:
0x35: {  	[bflag:$0x0] =	sbarrier.arrive $0xFFFF;
	(pc) =	sbr.rel @p0 .LBB2_1-.Ltmp1, $4  }
0x36: {  	[hbm:s16], [sflag:s6] =	dma.local [spmem:s10], $0x2800  }
0x37: {  	_ =	swait.ge [sflag:s11], $0x2800  }
0x38: {  	[sflag:s11] =	ssyncset.done $0x0  }
0x39: {  	[sflag:s11] =	ssyncadd.s32 $0xFFFFD800  }
0x3a: {  	_ =	sfence.sel $0x180000  }
0x3b: {  	[bflag:$0x0] =	sbarrier.arrive $0xFFFF  }
0x3c: {  	p0 =	sne.s32 s0, $0x0;
	_ =	strace $0x9000004D  }
0x3d: {  	s0 =	sadd.s32 @!p0 $0x100000, s1;
	[bflag:$0x2] =	sbarrier.arrive $0xFFFF  }
0x3e: {  	[sflag:s0] =	ssyncadd.tile.s32 @!p0 $0x1;
	_ =	shalt  }
.Lfunc_end2:
_tile_overlayer_lowered:
.L_overlay_start_2:
0x3f: {  	(tag) =	ssettag $0x2  }
0x40: {  	s0 =	rddreg [dreg:$0x0];
	s2 =	stileid.u32  }
0x41: {  	s1 =	rddreg [dreg:$0x1];
	p0 =	sne.s32 s2, $0x0  }
0x42: {  	s3 =	rddreg [dreg:$0x2];
	[bflag:$0x3] =	sbarrier.arrive $0xFFFF;
	s2 =	simm.s32 @!p0 $0x1C02  }
0x43: {  	[timem:s3], [sflag:s2] =	dma.local @!p0 [hbm:s0], s1  }
0x44: {  	s0 =	simm.s32 @!p0 $0x2  }
0x45: {  	_ =	swait.ge @!p0 [sflag:s0], s1  }
0x46: {  	s1 =	ssub.s32 @!p0 $0x0, s1;
	[sflag:s0] =	ssyncset.done @!p0 $0x0  }
0x47: {  	[sflag:s0] =	ssyncadd.s32 @!p0 s1  }
0x48: {  	[bflag:$0x3] =	sbarrier.arrive $0xFFFF  }
0x49: {  	_ =	shalt  }

// kernel: kernel.21.cloned.1.call-start
scs
__scs_entry_jumppad:
0x0: {  	(pc) =	sbr.rel $0x88, $3  }
0x1: {  	(tag) =	ssettag $0x0;
	lr =	simm.s32 $0x1  }
0x2: {  	[smem:$0x3F89] =	sst lr;
	_ =	strace $0xD0000000  }
0x3: {  	_ = 	snop  }
0x4: {  	_ = 	snop  }
0x5: {  	_ = 	snop  }
0x6: {  	_ = 	snop  }
0x7: {  	_ = 	snop  }
__scs_overlays_trampoline_lowered:
0x8: {  	[smem:$0x3F98] =	sst s0  }
0x9: {  	[smem:$0x3F99] =	sst s1  }
0xa: {  	[smem:$0x3F9A] =	sst s2  }
0xb: {  	[smem:$0x3F9B] =	sst s3  }
0xc: {  	[smem:$0x3F9C] =	sst s4  }
0xd: {  	[smem:$0x3F9D] =	sst s5  }
0xe: {  	[smem:$0x3F9E] =	sst s6  }
0xf: {  	[smem:$0x3F9F] =	sst s7  }
0x10: {  	[smem:$0x3FA0] =	sst s8  }
0x11: {  	[smem:$0x3FA1] =	sst s9;
	s0 =	simm.s32 @!p0 $0x0  }
0x12: {  	s1 =	sld [smem:$0x3F87];
	s0 =	simm.s32 @p0 $0x1  }
0x13: {  	[smem:$0x3FA2] =	sst s0;
	s0 =	simm.s32 @!p1 $0x0  }
0x14: {  	s2 =	sld [smem:$0x3F86];
	s0 =	simm.s32 @p1 $0x1  }
0x15: {  	[smem:$0x3FA3] =	sst s0;
	s0 =	simm.s32 @!p2 $0x0  }
0x16: {  	s3 =	sld [smem:$0x3FDB];
	s0 =	simm.s32 @p2 $0x1  }
0x17: {  	s4 =	simm.s32 $0x1BF5;
	[smem:$0x3FA5] =	sst s0  }
0x18: {  	s0 =	sld [smem:$0x3F88];
	_ =	swait.ge [sflag:s4], $0x0  }
0x19: {  	s7 =	sld [smem:$0x3F89]  }
0x1a: {  	s8 =	sadd.s32 $0xFFFFE003, lr  }
0x1b: {  	s9 =	sadd.s32 $0xFFFFFEF7, lr;
	s5 =	simm.s32 $0xFFFFFFFF;
	p2 =	slt.u32 s8, $0xFFFFF086  }
0x1c: {  	p1 =	slt.u32 s9, $0xF7A;
	s5 =	simm.s32 @!p2 $0x0  }
0x1d: {  	s5 =	simm.s32 @p1 $0x1;
	p0 =	seq.s32 s7, s2  }
0x1e: {  	s7 =	smul.u32 @!p0 $0xF7A, s2;
	p2 =	seq.s32 @!p0 s5, $0x0  }
0x1f: {  	s9 =	smul.u32 $0xF7A, s1;
	s8 =	simm.s32 @!p0 $0x1BF5;
	p2 =	por !p2, p0  }
0x20: {  	[sflag:s8] =	ssyncset.s32 @!p0 $0xFFFFF086;
	s6 =	sadd.s32 @!p0 s3, s7;
	s7 =	simm.s32 @!p0 $0x108  }
0x21: {  	s3 =	sadd.s32 s3, s9;
	s6 =	sadd.s32 @!p0 $0x88, s6;
	s7 =	simm.s32 @p2 $0x1082  }
0x22: {  	[simem:s7], [sflag:s8] =	dma.local @!p0 [hbm:s6], $0xF7A  }
0x23: {  	s9 =	sor.u32 $0xD0000000, s2;
	s6 =	simm.s32 $0x108;
	_ =	swait.ge @!p0 [sflag:s8], $0x0  }
0x24: {  	s3 =	sadd.s32 $0x88, s3;
	s6 =	simm.s32 @!p1 $0x1082;
	[sflag:s4] =	ssyncset.s32 $0xFFFFF086  }
0x25: {  	[simem:s6], [sflag:s4] =	dma.local [hbm:s3], $0xF7A  }
0x26: {  	[smem:$0x3F89] =	sst s1;
	(tag) =	ssettag s2;
	_ =	strace s9  }
0x27: {  	s1 =	sld [smem:$0x3F99]  }
0x28: {  	s2 =	sld [smem:$0x3F9A]  }
0x29: {  	s4 =	sld [smem:$0x3F9C]  }
0x2a: {  	p0 =	seq.s32 s5, $0x0;
	s5 =	sld [smem:$0x3F9D]  }
0x2b: {  	s6 =	sld [smem:$0x3F9E]  }
0x2c: {  	s7 =	sld [smem:$0x3F9F]  }
0x2d: {  	s3 =	simm.s32 $0x108;
	s8 =	sld [smem:$0x3FA0]  }
0x2e: {  	s3 =	simm.s32 @!p0 $0x1082;
	s9 =	sld [smem:$0x3FA1]  }
0x2f: {  	lr =	sadd.s32 s0, s3;
	s0 =	sld [smem:$0x3F98]  }
0x30: {  	s3 =	sld [smem:$0x3F9B]  }
0x31: {  	[smem:$0x3FA4] =	sst s10  }
0x32: {  	s10 =	sld [smem:$0x3FA2];
	_ =	sdelay $0x3  }
0x33: {  	p0 =	seq.s32 s10, $0x1;
	s10 =	sld [smem:$0x3FA4];
	_ =	sdelay $0x3  }
0x34: {  	[smem:$0x3FA4] =	sst s10  }
0x35: {  	s10 =	sld [smem:$0x3FA3];
	_ =	sdelay $0x3  }
0x36: {  	p1 =	seq.s32 s10, $0x1;
	s10 =	sld [smem:$0x3FA4];
	_ =	sdelay $0x3  }
0x37: {  	[smem:$0x3FA4] =	sst s10  }
0x38: {  	s10 =	sld [smem:$0x3FA5]  }
0x39: {  	_ = 	snop;
	(pc) =	sbr.ind lr, $3  }
0x3a: {  	_ = 	snop  }
0x3b: {  	_ = 	snop  }
0x3c: {  	p2 =	seq.s32 s10, $0x1;
	s10 =	sld [smem:$0x3FA4]  }
0x3d: {  	_ =	shalt  }
0x3e: {  	_ =	shalt  }
0x3f: {  	_ =	shalt  }
0x40: {  	_ =	shalt  }
0x41: {  	_ =	shalt  }
0x42: {  	_ =	shalt  }
0x43: {  	_ =	shalt  }
0x44: {  	_ =	shalt  }
0x45: {  	_ =	shalt  }
0x46: {  	_ =	shalt  }
0x47: {  	_ =	shalt  }
0x48: {  	_ =	shalt  }
0x49: {  	_ =	shalt  }
0x4a: {  	_ =	shalt  }
0x4b: {  	_ =	shalt  }
0x4c: {  	_ =	shalt  }
0x4d: {  	_ =	shalt  }
0x4e: {  	_ =	shalt  }
0x4f: {  	_ =	shalt  }
0x50: {  	_ =	shalt  }
0x51: {  	_ =	shalt  }
0x52: {  	_ =	shalt  }
0x53: {  	_ =	shalt  }
0x54: {  	_ =	shalt  }
0x55: {  	_ =	shalt  }
0x56: {  	_ =	shalt  }
0x57: {  	_ =	shalt  }
0x58: {  	_ =	shalt  }
0x59: {  	_ =	shalt  }
0x5a: {  	_ =	shalt  }
0x5b: {  	_ =	shalt  }
0x5c: {  	_ =	shalt  }
0x5d: {  	_ =	shalt  }
0x5e: {  	_ =	shalt  }
0x5f: {  	_ =	shalt  }
0x60: {  	_ =	shalt  }
0x61: {  	_ =	shalt  }
0x62: {  	_ =	shalt  }
0x63: {  	_ =	shalt  }
0x64: {  	_ =	shalt  }
0x65: {  	_ =	shalt  }
0x66: {  	_ =	shalt  }
0x67: {  	_ =	shalt  }
0x68: {  	_ =	shalt  }
0x69: {  	_ =	shalt  }
0x6a: {  	_ =	shalt  }
0x6b: {  	_ =	shalt  }
0x6c: {  	_ =	shalt  }
0x6d: {  	_ =	shalt  }
0x6e: {  	_ =	shalt  }
0x6f: {  	_ =	shalt  }
0x70: {  	_ =	shalt  }
0x71: {  	_ =	shalt  }
0x72: {  	_ =	shalt  }
0x73: {  	_ =	shalt  }
0x74: {  	_ =	shalt  }
0x75: {  	_ =	shalt  }
0x76: {  	_ =	shalt  }
0x77: {  	_ =	shalt  }
0x78: {  	_ =	shalt  }
0x79: {  	_ =	shalt  }
0x7a: {  	_ =	shalt  }
0x7b: {  	_ =	shalt  }
0x7c: {  	_ =	shalt  }
0x7d: {  	_ =	shalt  }
0x7e: {  	_ =	shalt  }
0x7f: {  	_ =	shalt  }
0x80: {  	_ =	shalt  }
0x81: {  	_ =	shalt  }
0x82: {  	_ =	shalt  }
0x83: {  	_ =	shalt  }
0x84: {  	_ =	shalt  }
0x85: {  	_ =	shalt  }
0x86: {  	_ =	shalt  }
0x87: {  	_ =	shalt  }
.Lfunc_end0:
.L_simem_size_0:
called_computation.3_lowered:
.L_overlay_start_0:
0x88: {  	s2 =	sld [smem:$0x3FD9]  }
0x89: {  	s3 =	sld [smem:$0x3FFE];
	_ =	sdelay $0x1  }
0x8a: {  	s1 =	srdreg.scid  }
0x8b: {  	s0 =	sand.u32 $0x1, s1  }
0x8c: {  	s16 =	sshll.u32 s0, $0xA;
	s2 =	sadd.s32 s3, s2  }
0x8d: {  	s2 =	sadd.s32 s2, s16  }
0x8e: {  	[smem:$0x3FB0] =	sst s2  }
0x8f: {  	_ = 	snop  }
0x90: {  	(tm) =	ssettm $0x1  }
0x91: {  	s17 =	sld [smem:$0x3FFB];
	_ =	sdelay $0x3  }
0x92: {  	_ =	strace s17  }
0x93: {  	s2 =	sld [smem:$0x3FFC];
	_ =	sdelay $0x3  }
0x94: {  	_ =	strace s2  }
0x95: {  	s2 =	sld [smem:$0x3FFD];
	_ =	sdelay $0x3  }
0x96: {  	_ =	strace s2  }
0x97: {  	_ =	strace $0x8FFFFFFF  }
0x98: {  	s18 =	sld [smem:$0x3FDB];
	_ =	sdelay $0x1  }
0x99: {  	s19 =	simm.s32 $_scs_section_size  }
0x9a: {  	s4 =	simm.s32 $_size__tile_overlayer_lowered;
	s5 =	simm.s32 $_tile_overlayer_lowered  }
0x9b: {  	s22 =	simm.s32 $0x1BFF;
	s21 =	sshll.u32 s5, $0x1;
	s2 =	sadd.s32 s19, s18  }
0x9c: {  	s6 =	simm.s32 $0x0;
	s20 =	sshll.u32 s4, $0x1;
	s4 =	sadd.s32 s21, s2  }
0x9d: {  	[timem:s6], [sflag:s22] =	dma.local [hbm:s4], s20  }
0x9e: {  	_ =	swait.ge [sflag:s22], s20  }
0x9f: {  	s3 =	ssub.s32 $0x0, s20;
	[sflag:s22] =	ssyncset.done $0x0  }
0xa0: {  	[sflag:s22] =	ssyncadd.s32 s3;
	_ =	sdelay $0x1  }
0xa1: {  	s23 =	simm.s32 $0x1B8B  }
0xa2: {  	_ =	swait.ge [sflag:s23], $0x1  }
0xa3: {  	[sflag:s23] =	ssyncset.done $0x0  }
0xa4: {  	s25 =	simm.s32 $0x1B8E;
	s24 =	sld [smem:$0x3FFE];
	[sflag:s23] =	ssyncadd.s32 $0xFFFFFFFF  }
0xa5: {  	s26 =	simm.s32 $execute0_lowered;
	[smem:$0x3FD2] =	sst s25  }
0xa6: {  	s4 =	sshll.u32 s26, $0x1;
	_ =	strace $0x8000004F;
	[dreg:$0x1] =	wrdreg $0xFFFFFFFF  }
0xa7: {  	s28 =	simm.s32 $_size_execute0_lowered;
	s2 =	sadd.s32 s2, s4;
	[dreg:$0x0] =	wrdreg $0x0  }
0xa8: {  	s4 =	sshll.u32 s28, $0x1;
	[dreg:$0x2] =	wrdreg s2  }
0xa9: {  	[dreg:$0x3] =	wrdreg s4  }
0xaa: {  	[dreg:$0x4] =	wrdreg $0xC0  }
0xab: {  	_ =	task [dreg:s6], $0x5FFFF  }
0xac: {  	[dreg:$0x1] =	wrdreg $0xFFFFFFFF  }
0xad: {  	[dreg:$0x0] =	wrdreg $0x60  }
0xae: {  	[dreg:$0x2] =	wrdreg s24  }
0xaf: {  	[dreg:$0x3] =	wrdreg $0x90000  }
0xb0: {  	[dreg:$0x4] =	wrdreg $0x9  }
0xb1: {  	_ =	task.clear_ibuf [dreg:s6], $0x5FFFF;
	_ =	strace $0x9000004F  }
0xb2: {  	s29 =	simm.s32 $0x9;
	_ =	strace $0x80000051  }
0xb3: {  	_ =	swait.ge [sflag:s29], $0x1  }
0xb4: {  	[sflag:s29] =	ssyncadd.s32 $0xFFFFFFFF  }
0xb5: {  	_ =	strace $0x90000051  }
0xb6: {  	_ =	sfence  }
0xb7: {  	s30 =	sld [smem:$0x0];
	_ =	sdelay $0x2  }
0xb8: {  	s31 =	sshll.u32 s1, $0xD;
	s1 =	sshrl.u32 s1, $0x2  }
0xb9: {  	s3 =	sand.u32 $0x4000, s31;
	s1 =	sadd.s32 s1, s30  }
0xba: {  	s0 =	sor.u32 s3, s0;
	s1 =	sshll.u32 s1, $0x11  }
0xbb: {  	s0 =	sor.u32 s1, s0  }
0xbc: {  	s0 =	sadd.s32 $0x8F2B, s0  }
0xbd: {  	[sflag:s0] =	ssyncadd.remote.s32 $0x1  }
0xbe: {  	_ =	sfence.sel $0xFFFF  }
0xbf: {  	[dreg:$0x0] =	wrdreg $0xFFFFFFFF;
	(pc) =	sbr.abs _section_cstart, $3  }
0xc0: {  	[dreg:$0x1] =	wrdreg $0xFFFFFFFF  }
0xc1: {  	_ =	task.clear_ibuf [dreg:s6], $0x2FFFF;
	_ =	strace $0x9FFFFFFF  }
0xc2: {  	(tm) =	ssettm $0x7FFFFFFF  }
0xc3: {  	_ =	shalt  }
tec
execute0_lowered:
.L_overlay_start_1:
0x0: {  	(tag) =	ssettag $0x1  }
0x1: {  	s1 =	srdreg.scid  }
0x2: {  	s0 =	stileid.u32;
	s5 =	rddreg [dreg:$0x0]  }
0x3: {  	s2 =	rddreg [dreg:$0x1];
	s3 =	simm.s32 $0x0;
	s14 =	simm.s32 $0x5000  }
0x4: {  	s15 =	simm.s32 $0x1;
	s6 =	sand.u32 $0x1, s1;
	s1 =	rddreg [dreg:$0x2]  }
0x5: {  	s26 =	sshll.u32 s0, $0x1;
	[smem:$0x7FF] =	sst s3;
	s16 =	smul.u32 $0x2800, s0  }
0x6: {  	s28 =	smul.u32 $0x50000, s0;
	s31 =	sshll.u32 s0, $0x6;
	s4 =	sor.u32 s6, s26  }
0x7: {  	_ =	strace $0x80000050;
	s8 =	smul.u32 $0x28000, s6;
	s6 =	ssub.s32 $0x2, s6  }
0x8: {  	s7 =	smul.u32 $0x500, s4;
	s4 =	sadd.s32 $0x6600, s5;
	s10 =	sadd.s32 s16, s5  }
0x9: {  	s29 =	sshrl.u32 s6, $0x1;
	s30 =	sshrl.u32 s28, $0x2;
	s11 =	sadd.s32 s8, s5  }
0xa: {  	s12 =	ssub.s32 s6, s29;
	s13 =	sadd.s32 s30, s2;
	s6 =	sor.u32 $0x1C02, s31  }
0xb: {  	s9 =	sadd.s32 s7, s5;
	s5 =	sadd.s32 $0x43600, s10;
	s17 =	sadd.s32 $0x6B600, s11  }
0xc: {  	s10 =	sshrl.u32 s13, $0x3;
	s11 =	simm.s32 $0x2;
	s13 =	simm.s32 $0x80  }
0xd: {  	s7 =	sadd.s32 $0x2F600, s9;
	s8 =	sadd.s32 $0x39600, s9;
	s9 =	smax.u32 s12, $0x1  }
0xe: {  	s12 =	simm.s32 $0x2800;
	s16 =	sadd.s32 s16, s17;
	s17 =	simm.s32 $0x0  }
.LBB2_1:
0xf: {  	[spmem:s10], [sflag:s6] =	dma.local [hbm:s5], $0x2800  }
0x10: {  	_ =	swait.ge [sflag:s11], $0x2800  }
0x11: {  	[sflag:s11] =	ssyncset.done $0x0  }
0x12: {  	[sflag:s11] =	ssyncadd.s32 $0xFFFFD800  }
0x13: {  	[tilespmem:s3], [sflag:$0x2] =	stream.linear.gather [hbm4b:s7+s3], $0x2780, $0x38;
	[tilespmem:$0x1D000] =	vst v63  }
0x14: {  	_ =	swait.ge [sflag:s11], $0x2780  }
0x15: {  	[sflag:s11] =	ssyncset.done $0x0  }
0x16: {  	[sflag:s11] =	ssyncadd.s32 $0xFFFFD880  }
0x17: {  	[tilespmem:s12], [sflag:$0x2] =	stream.linear.gather [hbm4b:s8+s3], $0x2780, $0x38;
	[tilespmem:$0x1D000] =	vst v63  }
0x18: {  	_ =	swait.ge [sflag:s11], $0x2780  }
0x19: {  	[sflag:s11] =	ssyncset.done $0x0  }
0x1a: {  	[sflag:s11] =	ssyncadd.s32 $0xFFFFD880  }
0x1b: {  	s18 =	simm.s32 $0x0;
	[bflag:$0x0] =	sbarrier.arrive $0xFFFF  }
0x1c: {  	[tilespmem:s14], [sflag:$0x1] =	stream.indirect.gather [hbm4b:s4+s13], $0x80, s18, s13, $0xb8;
	[tilespmem:$0x1D000] =	vst v63  }
0x1d: {  	_ =	swait.ge [sflag:s15], $0x4000  }
0x1e: {  	[sflag:s15] =	ssyncset.done $0x0  }
0x1f: {  	s31 =	simm.s32 $0x2800;
	[sflag:s15] =	ssyncadd.s32 $0xFFFFC000  }
0x20: {  	[spmem:s2] =	stream.indirect.scatter.add.f32 [tilespmem:s14], [sflag:$0x2], $0x80, s31, s13, $0xb8;
	[tilespmem:$0x1D000] =	vst v63  }
0x21: {  	_ =	swait.ge [sflag:s11], $0x4000  }
0x22: {  	s19 =	simm.s32 $0x400;
	s18 =	simm.s32 $0x200;
	[sflag:s11] =	ssyncset.done $0x0  }
.LBB2_2:
0x23: {  	s20 =	sshra.s32 s18, $0x2  }
0x24: {  	[sflag:s11] =	ssyncadd.s32 $0xFFFFC000;
	s18 =	smov.u32 s19;
	s21 =	sadd.s32 $0x200, s19  }
0x25: {  	[tilespmem:s14], [sflag:$0x1] =	stream.indirect.gather [hbm4b:s4+s13], $0x80, s20, s13, $0xb8;
	[tilespmem:$0x1D000] =	vst v63  }
0x26: {  	p0 =	sne.s32 s19, $0x9C00;
	_ =	swait.ge [sflag:s15], $0x4000  }
.Ltmp0:
0x27: {  	[sflag:s15] =	ssyncset.done $0x0;
	(pc) =	sbr.rel @p0 .LBB2_2-.Ltmp0, $4  }
0x28: {  	s19 =	sadd.s32 $0x2800, s20;
	[sflag:s15] =	ssyncadd.s32 $0xFFFFC000  }
0x29: {  	[spmem:s2] =	stream.indirect.scatter.add.f32 [tilespmem:s14], [sflag:$0x2], $0x80, s19, s13, $0xb8;
	[tilespmem:$0x1D000] =	vst v63  }
0x2a: {  	_ =	swait.ge [sflag:s11], $0x4000  }
0x2b: {  	s19 =	smov.u32 s21;
	[sflag:s11] =	ssyncset.done $0x0  }
0x2c: {  	s18 =	sshra.s32 s18, $0x2;
	[sflag:s11] =	ssyncadd.s32 $0xFFFFC000  }
0x2d: {  	[tilespmem:s14], [sflag:$0x1] =	stream.indirect.gather [hbm4b:s4+s13], $0x80, s18, s13, $0xb8;
	[tilespmem:$0x1D000] =	vst v63  }
0x2e: {  	_ =	swait.ge [sflag:s15], $0x4000  }
0x2f: {  	[sflag:s15] =	ssyncset.done $0x0  }
0x30: {  	s18 =	sadd.s32 $0x2800, s18;
	[sflag:s15] =	ssyncadd.s32 $0xFFFFC000  }
0x31: {  	[spmem:s2] =	stream.indirect.scatter.add.f32 [tilespmem:s14], [sflag:$0x2], $0x80, s18, s13, $0xb8;
	[tilespmem:$0x1D000] =	vst v63  }
0x32: {  	_ =	swait.ge [sflag:s11], $0x4000  }
0x33: {  	s17 =	sadd.s32 $0x1, s17;
	[sflag:s11] =	ssyncset.done $0x0  }
0x34: {  	p0 =	sne.s32 s17, s9;
	[sflag:s11] =	ssyncadd.s32 $0xFFFFC000  }
.Ltmp1:
0x35: {  	[bflag:$0x0] =	sbarrier.arrive $0xFFFF;
	(pc) =	sbr.rel @p0 .LBB2_1-.Ltmp1, $4  }
0x36: {  	[hbm:s16], [sflag:s6] =	dma.local [spmem:s10], $0x2800  }
0x37: {  	_ =	swait.ge [sflag:s11], $0x2800  }
0x38: {  	[sflag:s11] =	ssyncset.done $0x0  }
0x39: {  	[sflag:s11] =	ssyncadd.s32 $0xFFFFD800  }
0x3a: {  	_ =	sfence.sel $0x180000  }
0x3b: {  	[bflag:$0x0] =	sbarrier.arrive $0xFFFF  }
0x3c: {  	p0 =	sne.s32 s0, $0x0;
	_ =	strace $0x90000050  }
0x3d: {  	s0 =	sadd.s32 @!p0 $0x100000, s1;
	[bflag:$0x2] =	sbarrier.arrive $0xFFFF  }
0x3e: {  	[sflag:s0] =	ssyncadd.tile.s32 @!p0 $0x1;
	_ =	shalt  }
.Lfunc_end2:
_tile_overlayer_lowered:
.L_overlay_start_2:
0x3f: {  	(tag) =	ssettag $0x2  }
0x40: {  	s0 =	rddreg [dreg:$0x0];
	s2 =	stileid.u32  }
0x41: {  	s1 =	rddreg [dreg:$0x1];
	p0 =	sne.s32 s2, $0x0  }
0x42: {  	s3 =	rddreg [dreg:$0x2];
	[bflag:$0x3] =	sbarrier.arrive $0xFFFF;
	s2 =	simm.s32 @!p0 $0x1C02  }
0x43: {  	[timem:s3], [sflag:s2] =	dma.local @!p0 [hbm:s0], s1  }
0x44: {  	s0 =	simm.s32 @!p0 $0x2  }
0x45: {  	_ =	swait.ge @!p0 [sflag:s0], s1  }
0x46: {  	s1 =	ssub.s32 @!p0 $0x0, s1;
	[sflag:s0] =	ssyncset.done @!p0 $0x0  }
0x47: {  	[sflag:s0] =	ssyncadd.s32 @!p0 s1  }
0x48: {  	[bflag:$0x3] =	sbarrier.arrive $0xFFFF  }
0x49: {  	_ =	shalt  }

// kernel: kernel.24.cloned.1.call-start
scs
__scs_entry_jumppad:
0x0: {  	(pc) =	sbr.rel $0x88, $3  }
0x1: {  	(tag) =	ssettag $0x0;
	lr =	simm.s32 $0x1  }
0x2: {  	[smem:$0x3F89] =	sst lr;
	_ =	strace $0xD0000000  }
0x3: {  	_ = 	snop  }
0x4: {  	_ = 	snop  }
0x5: {  	_ = 	snop  }
0x6: {  	_ = 	snop  }
0x7: {  	_ = 	snop  }
__scs_overlays_trampoline_lowered:
0x8: {  	[smem:$0x3F98] =	sst s0  }
0x9: {  	[smem:$0x3F99] =	sst s1  }
0xa: {  	[smem:$0x3F9A] =	sst s2  }
0xb: {  	[smem:$0x3F9B] =	sst s3  }
0xc: {  	[smem:$0x3F9C] =	sst s4  }
0xd: {  	[smem:$0x3F9D] =	sst s5  }
0xe: {  	[smem:$0x3F9E] =	sst s6  }
0xf: {  	[smem:$0x3F9F] =	sst s7  }
0x10: {  	[smem:$0x3FA0] =	sst s8  }
0x11: {  	[smem:$0x3FA1] =	sst s9;
	s0 =	simm.s32 @!p0 $0x0  }
0x12: {  	s1 =	sld [smem:$0x3F87];
	s0 =	simm.s32 @p0 $0x1  }
0x13: {  	[smem:$0x3FA2] =	sst s0;
	s0 =	simm.s32 @!p1 $0x0  }
0x14: {  	s2 =	sld [smem:$0x3F86];
	s0 =	simm.s32 @p1 $0x1  }
0x15: {  	[smem:$0x3FA3] =	sst s0;
	s0 =	simm.s32 @!p2 $0x0  }
0x16: {  	s3 =	sld [smem:$0x3FDB];
	s0 =	simm.s32 @p2 $0x1  }
0x17: {  	s4 =	simm.s32 $0x1BF5;
	[smem:$0x3FA5] =	sst s0  }
0x18: {  	s0 =	sld [smem:$0x3F88];
	_ =	swait.ge [sflag:s4], $0x0  }
0x19: {  	s7 =	sld [smem:$0x3F89]  }
0x1a: {  	s8 =	sadd.s32 $0xFFFFE003, lr  }
0x1b: {  	s9 =	sadd.s32 $0xFFFFFEF7, lr;
	s5 =	simm.s32 $0xFFFFFFFF;
	p2 =	slt.u32 s8, $0xFFFFF086  }
0x1c: {  	p1 =	slt.u32 s9, $0xF7A;
	s5 =	simm.s32 @!p2 $0x0  }
0x1d: {  	s5 =	simm.s32 @p1 $0x1;
	p0 =	seq.s32 s7, s2  }
0x1e: {  	s7 =	smul.u32 @!p0 $0xF7A, s2;
	p2 =	seq.s32 @!p0 s5, $0x0  }
0x1f: {  	s9 =	smul.u32 $0xF7A, s1;
	s8 =	simm.s32 @!p0 $0x1BF5;
	p2 =	por !p2, p0  }
0x20: {  	[sflag:s8] =	ssyncset.s32 @!p0 $0xFFFFF086;
	s6 =	sadd.s32 @!p0 s3, s7;
	s7 =	simm.s32 @!p0 $0x108  }
0x21: {  	s3 =	sadd.s32 s3, s9;
	s6 =	sadd.s32 @!p0 $0x88, s6;
	s7 =	simm.s32 @p2 $0x1082  }
0x22: {  	[simem:s7], [sflag:s8] =	dma.local @!p0 [hbm:s6], $0xF7A  }
0x23: {  	s9 =	sor.u32 $0xD0000000, s2;
	s6 =	simm.s32 $0x108;
	_ =	swait.ge @!p0 [sflag:s8], $0x0  }
0x24: {  	s3 =	sadd.s32 $0x88, s3;
	s6 =	simm.s32 @!p1 $0x1082;
	[sflag:s4] =	ssyncset.s32 $0xFFFFF086  }
0x25: {  	[simem:s6], [sflag:s4] =	dma.local [hbm:s3], $0xF7A  }
0x26: {  	[smem:$0x3F89] =	sst s1;
	(tag) =	ssettag s2;
	_ =	strace s9  }
0x27: {  	s1 =	sld [smem:$0x3F99]  }
0x28: {  	s2 =	sld [smem:$0x3F9A]  }
0x29: {  	s4 =	sld [smem:$0x3F9C]  }
0x2a: {  	p0 =	seq.s32 s5, $0x0;
	s5 =	sld [smem:$0x3F9D]  }
0x2b: {  	s6 =	sld [smem:$0x3F9E]  }
0x2c: {  	s7 =	sld [smem:$0x3F9F]  }
0x2d: {  	s3 =	simm.s32 $0x108;
	s8 =	sld [smem:$0x3FA0]  }
0x2e: {  	s3 =	simm.s32 @!p0 $0x1082;
	s9 =	sld [smem:$0x3FA1]  }
0x2f: {  	lr =	sadd.s32 s0, s3;
	s0 =	sld [smem:$0x3F98]  }
0x30: {  	s3 =	sld [smem:$0x3F9B]  }
0x31: {  	[smem:$0x3FA4] =	sst s10  }
0x32: {  	s10 =	sld [smem:$0x3FA2];
	_ =	sdelay $0x3  }
0x33: {  	p0 =	seq.s32 s10, $0x1;
	s10 =	sld [smem:$0x3FA4];
	_ =	sdelay $0x3  }
0x34: {  	[smem:$0x3FA4] =	sst s10  }
0x35: {  	s10 =	sld [smem:$0x3FA3];
	_ =	sdelay $0x3  }
0x36: {  	p1 =	seq.s32 s10, $0x1;
	s10 =	sld [smem:$0x3FA4];
	_ =	sdelay $0x3  }
0x37: {  	[smem:$0x3FA4] =	sst s10  }
0x38: {  	s10 =	sld [smem:$0x3FA5]  }
0x39: {  	_ = 	snop;
	(pc) =	sbr.ind lr, $3  }
0x3a: {  	_ = 	snop  }
0x3b: {  	_ = 	snop  }
0x3c: {  	p2 =	seq.s32 s10, $0x1;
	s10 =	sld [smem:$0x3FA4]  }
0x3d: {  	_ =	shalt  }
0x3e: {  	_ =	shalt  }
0x3f: {  	_ =	shalt  }
0x40: {  	_ =	shalt  }
0x41: {  	_ =	shalt  }
0x42: {  	_ =	shalt  }
0x43: {  	_ =	shalt  }
0x44: {  	_ =	shalt  }
0x45: {  	_ =	shalt  }
0x46: {  	_ =	shalt  }
0x47: {  	_ =	shalt  }
0x48: {  	_ =	shalt  }
0x49: {  	_ =	shalt  }
0x4a: {  	_ =	shalt  }
0x4b: {  	_ =	shalt  }
0x4c: {  	_ =	shalt  }
0x4d: {  	_ =	shalt  }
0x4e: {  	_ =	shalt  }
0x4f: {  	_ =	shalt  }
0x50: {  	_ =	shalt  }
0x51: {  	_ =	shalt  }
0x52: {  	_ =	shalt  }
0x53: {  	_ =	shalt  }
0x54: {  	_ =	shalt  }
0x55: {  	_ =	shalt  }
0x56: {  	_ =	shalt  }
0x57: {  	_ =	shalt  }
0x58: {  	_ =	shalt  }
0x59: {  	_ =	shalt  }
0x5a: {  	_ =	shalt  }
0x5b: {  	_ =	shalt  }
0x5c: {  	_ =	shalt  }
0x5d: {  	_ =	shalt  }
0x5e: {  	_ =	shalt  }
0x5f: {  	_ =	shalt  }
0x60: {  	_ =	shalt  }
0x61: {  	_ =	shalt  }
0x62: {  	_ =	shalt  }
0x63: {  	_ =	shalt  }
0x64: {  	_ =	shalt  }
0x65: {  	_ =	shalt  }
0x66: {  	_ =	shalt  }
0x67: {  	_ =	shalt  }
0x68: {  	_ =	shalt  }
0x69: {  	_ =	shalt  }
0x6a: {  	_ =	shalt  }
0x6b: {  	_ =	shalt  }
0x6c: {  	_ =	shalt  }
0x6d: {  	_ =	shalt  }
0x6e: {  	_ =	shalt  }
0x6f: {  	_ =	shalt  }
0x70: {  	_ =	shalt  }
0x71: {  	_ =	shalt  }
0x72: {  	_ =	shalt  }
0x73: {  	_ =	shalt  }
0x74: {  	_ =	shalt  }
0x75: {  	_ =	shalt  }
0x76: {  	_ =	shalt  }
0x77: {  	_ =	shalt  }
0x78: {  	_ =	shalt  }
0x79: {  	_ =	shalt  }
0x7a: {  	_ =	shalt  }
0x7b: {  	_ =	shalt  }
0x7c: {  	_ =	shalt  }
0x7d: {  	_ =	shalt  }
0x7e: {  	_ =	shalt  }
0x7f: {  	_ =	shalt  }
0x80: {  	_ =	shalt  }
0x81: {  	_ =	shalt  }
0x82: {  	_ =	shalt  }
0x83: {  	_ =	shalt  }
0x84: {  	_ =	shalt  }
0x85: {  	_ =	shalt  }
0x86: {  	_ =	shalt  }
0x87: {  	_ =	shalt  }
.Lfunc_end0:
.L_simem_size_0:
called_computation.4_lowered:
.L_overlay_start_0:
0x88: {  	s2 =	sld [smem:$0x3FD9]  }
0x89: {  	s3 =	sld [smem:$0x3FFE];
	_ =	sdelay $0x1  }
0x8a: {  	s1 =	srdreg.scid  }
0x8b: {  	s0 =	sand.u32 $0x1, s1  }
0x8c: {  	s16 =	sshll.u32 s0, $0xA;
	s2 =	sadd.s32 s3, s2  }
0x8d: {  	s2 =	sadd.s32 s2, s16  }
0x8e: {  	[smem:$0x3FB0] =	sst s2  }
0x8f: {  	_ = 	snop  }
0x90: {  	(tm) =	ssettm $0x1  }
0x91: {  	s17 =	sld [smem:$0x3FFB];
	_ =	sdelay $0x3  }
0x92: {  	_ =	strace s17  }
0x93: {  	s2 =	sld [smem:$0x3FFC];
	_ =	sdelay $0x3  }
0x94: {  	_ =	strace s2  }
0x95: {  	s2 =	sld [smem:$0x3FFD];
	_ =	sdelay $0x3  }
0x96: {  	_ =	strace s2  }
0x97: {  	_ =	strace $0x8FFFFFFF  }
0x98: {  	s18 =	sld [smem:$0x3FDB];
	_ =	sdelay $0x1  }
0x99: {  	s19 =	simm.s32 $_scs_section_size  }
0x9a: {  	s4 =	simm.s32 $_size__tile_overlayer_lowered;
	s5 =	simm.s32 $_tile_overlayer_lowered  }
0x9b: {  	s22 =	simm.s32 $0x1BFF;
	s21 =	sshll.u32 s5, $0x1;
	s2 =	sadd.s32 s19, s18  }
0x9c: {  	s6 =	simm.s32 $0x0;
	s20 =	sshll.u32 s4, $0x1;
	s4 =	sadd.s32 s21, s2  }
0x9d: {  	[timem:s6], [sflag:s22] =	dma.local [hbm:s4], s20  }
0x9e: {  	_ =	swait.ge [sflag:s22], s20  }
0x9f: {  	s3 =	ssub.s32 $0x0, s20;
	[sflag:s22] =	ssyncset.done $0x0  }
0xa0: {  	[sflag:s22] =	ssyncadd.s32 s3;
	_ =	sdelay $0x1  }
0xa1: {  	s23 =	simm.s32 $0x1B8B  }
0xa2: {  	_ =	swait.ge [sflag:s23], $0x1  }
0xa3: {  	[sflag:s23] =	ssyncset.done $0x0  }
0xa4: {  	s25 =	simm.s32 $0x1B8E;
	s24 =	sld [smem:$0x3FFE];
	[sflag:s23] =	ssyncadd.s32 $0xFFFFFFFF  }
0xa5: {  	s26 =	simm.s32 $execute0_lowered;
	[smem:$0x3FD2] =	sst s25  }
0xa6: {  	s4 =	sshll.u32 s26, $0x1;
	_ =	strace $0x80000052;
	[dreg:$0x1] =	wrdreg $0xFFFFFFFF  }
0xa7: {  	s28 =	simm.s32 $_size_execute0_lowered;
	s2 =	sadd.s32 s2, s4;
	[dreg:$0x0] =	wrdreg $0x0  }
0xa8: {  	s4 =	sshll.u32 s28, $0x1;
	[dreg:$0x2] =	wrdreg s2  }
0xa9: {  	[dreg:$0x3] =	wrdreg s4  }
0xaa: {  	[dreg:$0x4] =	wrdreg $0xC0  }
0xab: {  	_ =	task [dreg:s6], $0x5FFFF  }
0xac: {  	[dreg:$0x1] =	wrdreg $0xFFFFFFFF  }
0xad: {  	[dreg:$0x0] =	wrdreg $0x60  }
0xae: {  	[dreg:$0x2] =	wrdreg s24  }
0xaf: {  	[dreg:$0x3] =	wrdreg $0x90000  }
0xb0: {  	[dreg:$0x4] =	wrdreg $0x9  }
0xb1: {  	_ =	task.clear_ibuf [dreg:s6], $0x5FFFF;
	_ =	strace $0x90000052  }
0xb2: {  	s29 =	simm.s32 $0x9;
	_ =	strace $0x80000054  }
0xb3: {  	_ =	swait.ge [sflag:s29], $0x1  }
0xb4: {  	[sflag:s29] =	ssyncadd.s32 $0xFFFFFFFF  }
0xb5: {  	_ =	strace $0x90000054  }
0xb6: {  	_ =	sfence  }
0xb7: {  	s30 =	sld [smem:$0x0];
	_ =	sdelay $0x2  }
0xb8: {  	s31 =	sshll.u32 s1, $0xD;
	s1 =	sshrl.u32 s1, $0x2  }
0xb9: {  	s3 =	sand.u32 $0x4000, s31;
	s1 =	sadd.s32 s1, s30  }
0xba: {  	s0 =	sor.u32 s3, s0;
	s1 =	sshll.u32 s1, $0x11  }
0xbb: {  	s0 =	sor.u32 s1, s0  }
0xbc: {  	s0 =	sadd.s32 $0x8F2B, s0  }
0xbd: {  	[sflag:s0] =	ssyncadd.remote.s32 $0x1  }
0xbe: {  	_ =	sfence.sel $0xFFFF  }
0xbf: {  	[dreg:$0x0] =	wrdreg $0xFFFFFFFF;
	(pc) =	sbr.abs _section_cstart, $3  }
0xc0: {  	[dreg:$0x1] =	wrdreg $0xFFFFFFFF  }
0xc1: {  	_ =	task.clear_ibuf [dreg:s6], $0x2FFFF;
	_ =	strace $0x9FFFFFFF  }
0xc2: {  	(tm) =	ssettm $0x7FFFFFFF  }
0xc3: {  	_ =	shalt  }
tec
execute0_lowered:
.L_overlay_start_1:
0x0: {  	(tag) =	ssettag $0x1  }
0x1: {  	s1 =	srdreg.scid  }
0x2: {  	s0 =	stileid.u32;
	s5 =	rddreg [dreg:$0x0]  }
0x3: {  	s2 =	rddreg [dreg:$0x1];
	s3 =	simm.s32 $0x0;
	s14 =	simm.s32 $0x5000  }
0x4: {  	s15 =	simm.s32 $0x1;
	s6 =	sand.u32 $0x1, s1;
	s1 =	rddreg [dreg:$0x2]  }
0x5: {  	s26 =	sshll.u32 s0, $0x1;
	[smem:$0x7FF] =	sst s3;
	s16 =	smul.u32 $0x2800, s0  }
0x6: {  	s28 =	smul.u32 $0x50000, s0;
	s31 =	sshll.u32 s0, $0x6;
	s4 =	sor.u32 s6, s26  }
0x7: {  	_ =	strace $0x80000053;
	s8 =	smul.u32 $0x28000, s6;
	s6 =	ssub.s32 $0x2, s6  }
0x8: {  	s7 =	smul.u32 $0x500, s4;
	s4 =	sadd.s32 $0x6600, s5;
	s10 =	sadd.s32 s16, s5  }
0x9: {  	s29 =	sshrl.u32 s6, $0x1;
	s30 =	sshrl.u32 s28, $0x2;
	s11 =	sadd.s32 s8, s5  }
0xa: {  	s12 =	ssub.s32 s6, s29;
	s13 =	sadd.s32 s30, s2;
	s6 =	sor.u32 $0x1C02, s31  }
0xb: {  	s9 =	sadd.s32 s7, s5;
	s5 =	sadd.s32 $0x43600, s10;
	s17 =	sadd.s32 $0x6B600, s11  }
0xc: {  	s10 =	sshrl.u32 s13, $0x3;
	s11 =	simm.s32 $0x2;
	s13 =	simm.s32 $0x80  }
0xd: {  	s7 =	sadd.s32 $0x2F600, s9;
	s8 =	sadd.s32 $0x39600, s9;
	s9 =	smax.u32 s12, $0x1  }
0xe: {  	s12 =	simm.s32 $0x2800;
	s16 =	sadd.s32 s16, s17;
	s17 =	simm.s32 $0x0  }
.LBB2_1:
0xf: {  	[spmem:s10], [sflag:s6] =	dma.local [hbm:s5], $0x2800  }
0x10: {  	_ =	swait.ge [sflag:s11], $0x2800  }
0x11: {  	[sflag:s11] =	ssyncset.done $0x0  }
0x12: {  	[sflag:s11] =	ssyncadd.s32 $0xFFFFD800  }
0x13: {  	[tilespmem:s3], [sflag:$0x2] =	stream.linear.gather [hbm4b:s7+s3], $0x2780, $0x38;
	[tilespmem:$0x1D000] =	vst v63  }
0x14: {  	_ =	swait.ge [sflag:s11], $0x2780  }
0x15: {  	[sflag:s11] =	ssyncset.done $0x0  }
0x16: {  	[sflag:s11] =	ssyncadd.s32 $0xFFFFD880  }
0x17: {  	[tilespmem:s12], [sflag:$0x2] =	stream.linear.gather [hbm4b:s8+s3], $0x2780, $0x38;
	[tilespmem:$0x1D000] =	vst v63  }
0x18: {  	_ =	swait.ge [sflag:s11], $0x2780  }
0x19: {  	[sflag:s11] =	ssyncset.done $0x0  }
0x1a: {  	[sflag:s11] =	ssyncadd.s32 $0xFFFFD880  }
0x1b: {  	s18 =	simm.s32 $0x0;
	[bflag:$0x0] =	sbarrier.arrive $0xFFFF  }
0x1c: {  	[tilespmem:s14], [sflag:$0x1] =	stream.indirect.gather [hbm4b:s4+s13], $0x80, s18, s13, $0xb8;
	[tilespmem:$0x1D000] =	vst v63  }
0x1d: {  	_ =	swait.ge [sflag:s15], $0x4000  }
0x1e: {  	[sflag:s15] =	ssyncset.done $0x0  }
0x1f: {  	s31 =	simm.s32 $0x2800;
	[sflag:s15] =	ssyncadd.s32 $0xFFFFC000  }
0x20: {  	[spmem:s2] =	stream.indirect.scatter.add.f32 [tilespmem:s14], [sflag:$0x2], $0x80, s31, s13, $0xb8;
	[tilespmem:$0x1D000] =	vst v63  }
0x21: {  	_ =	swait.ge [sflag:s11], $0x4000  }
0x22: {  	s19 =	simm.s32 $0x400;
	s18 =	simm.s32 $0x200;
	[sflag:s11] =	ssyncset.done $0x0  }
.LBB2_2:
0x23: {  	s20 =	sshra.s32 s18, $0x2  }
0x24: {  	[sflag:s11] =	ssyncadd.s32 $0xFFFFC000;
	s18 =	smov.u32 s19;
	s21 =	sadd.s32 $0x200, s19  }
0x25: {  	[tilespmem:s14], [sflag:$0x1] =	stream.indirect.gather [hbm4b:s4+s13], $0x80, s20, s13, $0xb8;
	[tilespmem:$0x1D000] =	vst v63  }
0x26: {  	p0 =	sne.s32 s19, $0x9C00;
	_ =	swait.ge [sflag:s15], $0x4000  }
.Ltmp0:
0x27: {  	[sflag:s15] =	ssyncset.done $0x0;
	(pc) =	sbr.rel @p0 .LBB2_2-.Ltmp0, $4  }
0x28: {  	s19 =	sadd.s32 $0x2800, s20;
	[sflag:s15] =	ssyncadd.s32 $0xFFFFC000  }
0x29: {  	[spmem:s2] =	stream.indirect.scatter.add.f32 [tilespmem:s14], [sflag:$0x2], $0x80, s19, s13, $0xb8;
	[tilespmem:$0x1D000] =	vst v63  }
0x2a: {  	_ =	swait.ge [sflag:s11], $0x4000  }
0x2b: {  	s19 =	smov.u32 s21;
	[sflag:s11] =	ssyncset.done $0x0  }
0x2c: {  	s18 =	sshra.s32 s18, $0x2;
	[sflag:s11] =	ssyncadd.s32 $0xFFFFC000  }
0x2d: {  	[tilespmem:s14], [sflag:$0x1] =	stream.indirect.gather [hbm4b:s4+s13], $0x80, s18, s13, $0xb8;
	[tilespmem:$0x1D000] =	vst v63  }
0x2e: {  	_ =	swait.ge [sflag:s15], $0x4000  }
0x2f: {  	[sflag:s15] =	ssyncset.done $0x0  }
0x30: {  	s18 =	sadd.s32 $0x2800, s18;
	[sflag:s15] =	ssyncadd.s32 $0xFFFFC000  }
0x31: {  	[spmem:s2] =	stream.indirect.scatter.add.f32 [tilespmem:s14], [sflag:$0x2], $0x80, s18, s13, $0xb8;
	[tilespmem:$0x1D000] =	vst v63  }
0x32: {  	_ =	swait.ge [sflag:s11], $0x4000  }
0x33: {  	s17 =	sadd.s32 $0x1, s17;
	[sflag:s11] =	ssyncset.done $0x0  }
0x34: {  	p0 =	sne.s32 s17, s9;
	[sflag:s11] =	ssyncadd.s32 $0xFFFFC000  }
.Ltmp1:
0x35: {  	[bflag:$0x0] =	sbarrier.arrive $0xFFFF;
	(pc) =	sbr.rel @p0 .LBB2_1-.Ltmp1, $4  }
0x36: {  	[hbm:s16], [sflag:s6] =	dma.local [spmem:s10], $0x2800  }
0x37: {  	_ =	swait.ge [sflag:s11], $0x2800  }
0x38: {  	[sflag:s11] =	ssyncset.done $0x0  }
0x39: {  	[sflag:s11] =	ssyncadd.s32 $0xFFFFD800  }
0x3a: {  	_ =	sfence.sel $0x180000  }
0x3b: {  	[bflag:$0x0] =	sbarrier.arrive $0xFFFF  }
0x3c: {  	p0 =	sne.s32 s0, $0x0;
	_ =	strace $0x90000053  }
0x3d: {  	s0 =	sadd.s32 @!p0 $0x100000, s1;
	[bflag:$0x2] =	sbarrier.arrive $0xFFFF  }
0x3e: {  	[sflag:s0] =	ssyncadd.tile.s32 @!p0 $0x1;
	_ =	shalt  }
.Lfunc_end2:
_tile_overlayer_lowered:
.L_overlay_start_2:
0x3f: {  	(tag) =	ssettag $0x2  }
0x40: {  	s0 =	rddreg [dreg:$0x0];
	s2 =	stileid.u32  }
0x41: {  	s1 =	rddreg [dreg:$0x1];
	p0 =	sne.s32 s2, $0x0  }
0x42: {  	s3 =	rddreg [dreg:$0x2];
	[bflag:$0x3] =	sbarrier.arrive $0xFFFF;
	s2 =	simm.s32 @!p0 $0x1C02  }
0x43: {  	[timem:s3], [sflag:s2] =	dma.local @!p0 [hbm:s0], s1  }
0x44: {  	s0 =	simm.s32 @!p0 $0x2  }
0x45: {  	_ =	swait.ge @!p0 [sflag:s0], s1  }
0x46: {  	s1 =	ssub.s32 @!p0 $0x0, s1;
	[sflag:s0] =	ssyncset.done @!p0 $0x0  }
0x47: {  	[sflag:s0] =	ssyncadd.s32 @!p0 s1  }
0x48: {  	[bflag:$0x3] =	sbarrier.arrive $0xFFFF  }
0x49: {  	_ =	shalt  }

</sc_bundles>
